<compile_context>
chip_gen: v7x
topology: tpu7x:2x2x1
jax: 0.10.2.dev20260603
libtpu: 0.0.44.dev20260713+nightly
codegen_flags: <defaults>
</compile_context>

<pallas_src>
import functools

import jax
import jax.numpy as jnp
from jax import lax
from jax.experimental import pallas as pl
from jax.experimental.pallas import tpu as pltpu
from jax.experimental.pallas import tpu_sc as plsc

B = 128
N = 32768
C = 1000
HB = 1024
CPAD = 1008
L = 16
NC = 2
NS = 16
NW = NC * NS
ROWS_PER_W = B // NW
NB = 1

_mesh = plsc.VectorSubcoreMesh(
    core_axis_name="c", subcore_axis_name="s", num_cores=NC, num_subcores=NS
)


@functools.partial(
    pl.kernel,
    out_type=jax.ShapeDtypeStruct((B, CPAD), jnp.float32),
    mesh=_mesh,
    compiler_params=pltpu.CompilerParams(needs_layout_passes=False),
    scratch_types=[
        pltpu.VMEM((N,), jnp.int32),
        pltpu.VMEM((N,), jnp.int32),
        pltpu.VMEM((NB * L * HB,), jnp.int32),
        pltpu.VMEM((CPAD,), jnp.float32),
        pltpu.SemaphoreType.DMA,
        pltpu.SemaphoreType.DMA,
    ],
)
def _mode_sc(in_hbm, out_hbm, buf_a, buf_b, hist, obuf, sem_a, sem_b):
    wid = lax.axis_index("c") * NS + lax.axis_index("s")
    row0 = wid * ROWS_PER_W
    lane = lax.iota(jnp.int32, L)
    lane_base = lane * HB
    ones = jnp.full((L,), 1, jnp.int32)
    zeros = jnp.zeros((L,), jnp.int32)

    bufs = (buf_a, buf_b)
    sems = (sem_a, sem_b)
    first = pltpu.async_copy(in_hbm.at[row0], buf_a, sem_a)

    @plsc.parallel_loop(0, NB * L * HB, step=L, unroll=8)
    def _zero(j):
        hist[pl.ds(j, L)] = zeros

    first.wait()

    for r in range(ROWS_PER_W):
        buf = bufs[r % 2]
        if r + 1 < ROWS_PER_W:
            nxt = pltpu.async_copy(
                in_hbm.at[row0 + r + 1], bufs[(r + 1) % 2], sems[(r + 1) % 2]
            )

        @plsc.parallel_loop(0, N, step=NB * L, unroll=8)
        def _scat(i):
            for k in range(NB):
                e = buf[pl.ds(i + k * L, L)]
                plsc.addupdate_scatter(hist, [e + lane_base + k * (L * HB)], ones)

        rezero = r + 1 < ROWS_PER_W

        def _red(j, carry):
            best_cnt, best_idx = carry
            c0 = j * L
            acc = hist[pl.ds(c0, L)]
            if rezero:
                hist[pl.ds(c0, L)] = zeros
            for l in range(1, NB * L):
                acc = acc + hist[pl.ds(l * HB + c0, L)]
                if rezero:
                    hist[pl.ds(l * HB + c0, L)] = zeros
            pred = acc > best_cnt
            best_cnt = jnp.where(pred, acc, best_cnt)
            best_idx = jnp.where(pred, c0 + lane, best_idx)
            return best_cnt, best_idx

        init = (jnp.full((L,), -1, jnp.int32), jnp.zeros((L,), jnp.int32))
        best_cnt, best_idx = plsc.parallel_loop(0, CPAD // L, unroll=1, carry=init)(_red)
        m = jnp.max(best_cnt)
        cand = jnp.where(best_cnt == m, best_idx, jnp.full((L,), 2**30, jnp.int32))
        mode = jnp.min(cand)

        @plsc.parallel_loop(0, CPAD, step=L, unroll=4)
        def _onehot(j):
            obuf[pl.ds(j, L)] = jnp.where(
                lane + j == mode, jnp.float32(1), jnp.float32(0)
            )

        pltpu.sync_copy(obuf, out_hbm.at[row0 + r])
        if r + 1 < ROWS_PER_W:
            nxt.wait()


def kernel(inputs):
    out = _mode_sc(inputs)
    return out[:, :C]

# --- scband reference (transcript-rebuilt; emitter-appended) ---
"""Pipeline reference for scband-mode-layer-79474074845702 (READ-ONLY COPY).

The authoritative reference and input builder live on the scoring server;
editing this copy changes nothing except your own understanding.
"""

import jax, jax.numpy as jnp
import numpy as np

NUM_CLASSES = 1000

def setup_inputs(seed: int = 0) -> dict:
    key = jax.random.key(seed)
    inputs = jax.random.randint(key, (128, 32768), 0, NUM_CLASSES, dtype=jnp.int32)
    return {"inputs": inputs}

def reference(inputs):
    # ModeLayer: for each row, find the mode (most frequent class) and one-hot encode it.
    # tf.unique_with_counts + argmax(count) == argmax of the per-class histogram
    # (tie-breaking differs only on exact count ties, which is measure-zero for random data).
    def row_mode(row):
        counts = jnp.bincount(row, length=NUM_CLASSES)
        return jnp.argmax(counts)
    modes = jax.vmap(row_mode)(inputs)
    modes_one_hot = jax.nn.one_hot(modes, NUM_CLASSES, dtype=jnp.float32)
    return modes_one_hot

if __name__ == "__main__":
    import jax
    _d = setup_inputs()
    print(jax.jit(kernel)(*tuple(_d.values())))

</pallas_src>

<mosaic_0001>
#map = affine_map<(d0, d1) -> (0, 0)>
module attributes {stable_mosaic.version = 14 : i64} {
  func.func @_mode_sc(%arg0: i32, %arg1: i32, %arg2: memref<128x32768xi32, #tpu.memory_space<hbm>>, %arg3: memref<128x1008xf32, #tpu.memory_space<hbm>>, %arg4: memref<32768xi32, #tpu.memory_space<vmem>>, %arg5: memref<32768xi32, #tpu.memory_space<vmem>>, %arg6: memref<16384xi32, #tpu.memory_space<vmem>>, %arg7: memref<1008xf32, #tpu.memory_space<vmem>>, %arg8: memref<!tpu.dma_semaphore, #tpu.memory_space<semaphore_mem>>, %arg9: memref<!tpu.dma_semaphore, #tpu.memory_space<semaphore_mem>>) attributes {dimension_semantics = [#tpu.dimension_semantics<core_parallel>, #tpu.dimension_semantics<subcore_parallel>], iteration_bounds = array<i64: 2, 16>, scalar_prefetch = 0 : i64, scratch_operands = 6 : i64, tpu.core_type = #tpu.core_type<sc_vector_subcore>, window_params = [{transform_indices = #map}, {transform_indices = #map}]} {
    %mul3A = arith.constant 16 : i32
    %mul3A_0 = arith.muli %arg0, %mul3A : i32
    %add3A = arith.addi %mul3A_0, %arg1 : i32
    %mul3A_1 = arith.constant 4 : i32
    %mul3A_2 = arith.muli %add3A, %mul3A_1 : i32
    %iota3A = tpu.iota {dimensions = array<i32: 0>} : vector<16xi32>
    %mul3A_3 = arith.constant 1024 : i32
    %mul3A_4 = vector.broadcast %mul3A_3 : i32 to vector<16xi32>
    %mul3A_5 = arith.muli %iota3A, %mul3A_4 : vector<16xi32>
    %broadcast_in_dim3A = arith.constant 1 : i32
    %broadcast_in_dim3A_6 = vector.broadcast %broadcast_in_dim3A : i32 to vector<16xi32>
    %broadcast_in_dim3A_7 = arith.constant 0 : i32
    %broadcast_in_dim3A_8 = vector.broadcast %broadcast_in_dim3A_7 : i32 to vector<16xi32>
    %dma_start3A = arith.constant 0 : i32
    %dma_start3A_9 = tpu.memref_slice %arg2[%mul3A_2, %dma_start3A] : memref<128x32768xi32, #tpu.memory_space<hbm>> -> memref<1x32768xi32, #tpu.memory_space<hbm>>
    %dma_start3A_10 = tpu.memref_squeeze %dma_start3A_9 : memref<1x32768xi32, #tpu.memory_space<hbm>> -> memref<32768xi32, #tpu.memory_space<hbm>>
    %dma_start3A_11 = arith.constant 0 : i32
    %dma_start3A_12 = tpu.memref_slice %arg2[%mul3A_2, %dma_start3A_11] : memref<128x32768xi32, #tpu.memory_space<hbm>> -> memref<1x32768xi32, #tpu.memory_space<hbm>>
    %dma_start3A_13 = tpu.memref_squeeze %dma_start3A_12 : memref<1x32768xi32, #tpu.memory_space<hbm>> -> memref<32768xi32, #tpu.memory_space<hbm>>
    tpu.enqueue_dma source(%dma_start3A_13 : memref<32768xi32, #tpu.memory_space<hbm>>) target(%arg4 : memref<32768xi32, #tpu.memory_space<vmem>>) target_semaphore(%arg8 : memref<!tpu.dma_semaphore, #tpu.memory_space<semaphore_mem>>)
    %parallel_loop3A = arith.constant 0 : i32
    %parallel_loop3A_14 = arith.constant 16384 : i32
    %parallel_loop3A_15 = arith.constant 16 : i32
    scf.for %parallel_loop3A_213 = %parallel_loop3A to %parallel_loop3A_14 step %parallel_loop3A_15  : i32 {
      %parallel_loop3A_214 = arith.index_cast %parallel_loop3A_213 : i32 to index
      %parallel_loop3A_215 = tpu.vector_load %arg6[%parallel_loop3A_214] {strides = array<i32>} : memref<16384xi32, #tpu.memory_space<vmem>>, vector<16xi32>,
      tpu.vector_store %arg6[%parallel_loop3A_214], %broadcast_in_dim3A_8 {strides = array<i32>} : memref<16384xi32, #tpu.memory_space<vmem>>, vector<16xi32>,
    } {sc.loop_unroll_factor = 8 : i64, sc.parallel_access}
    %dma_wait3A = arith.constant 0 : i32
    %dma_wait3A_16 = tpu.memref_slice %arg2[%mul3A_2, %dma_wait3A] : memref<128x32768xi32, #tpu.memory_space<hbm>> -> memref<1x32768xi32, #tpu.memory_space<hbm>>
    %dma_wait3A_17 = tpu.memref_squeeze %dma_wait3A_16 : memref<1x32768xi32, #tpu.memory_space<hbm>> -> memref<32768xi32, #tpu.memory_space<hbm>>
    %dma_wait3A_18 = arith.constant 0 : i32
    %dma_wait3A_19 = tpu.memref_slice %arg2[%mul3A_2, %dma_wait3A_18] : memref<128x32768xi32, #tpu.memory_space<hbm>> -> memref<1x32768xi32, #tpu.memory_space<hbm>>
    %dma_wait3A_20 = tpu.memref_squeeze %dma_wait3A_19 : memref<1x32768xi32, #tpu.memory_space<hbm>> -> memref<32768xi32, #tpu.memory_space<hbm>>
    tpu.wait_dma2 semaphore(%arg8 : memref<!tpu.dma_semaphore, #tpu.memory_space<semaphore_mem>>) src(%dma_wait3A_20 : memref<32768xi32, #tpu.memory_space<hbm>>) dst(%arg4 : memref<32768xi32, #tpu.memory_space<vmem>>)
    %add3A_21 = arith.constant 0 : i32
    %add3A_22 = arith.addi %mul3A_2, %add3A_21 : i32
    %add3A_23 = arith.constant 1 : i32
    %add3A_24 = arith.addi %add3A_22, %add3A_23 : i32
    %dma_start3A_25 = arith.constant 0 : i32
    %dma_start3A_26 = tpu.memref_slice %arg2[%add3A_24, %dma_start3A_25] : memref<128x32768xi32, #tpu.memory_space<hbm>> -> memref<1x32768xi32, #tpu.memory_space<hbm>>
    %dma_start3A_27 = tpu.memref_squeeze %dma_start3A_26 : memref<1x32768xi32, #tpu.memory_space<hbm>> -> memref<32768xi32, #tpu.memory_space<hbm>>
    %dma_start3A_28 = arith.constant 0 : i32
    %dma_start3A_29 = tpu.memref_slice %arg2[%add3A_24, %dma_start3A_28] : memref<128x32768xi32, #tpu.memory_space<hbm>> -> memref<1x32768xi32, #tpu.memory_space<hbm>>
    %dma_start3A_30 = tpu.memref_squeeze %dma_start3A_29 : memref<1x32768xi32, #tpu.memory_space<hbm>> -> memref<32768xi32, #tpu.memory_space<hbm>>
    tpu.enqueue_dma source(%dma_start3A_30 : memref<32768xi32, #tpu.memory_space<hbm>>) target(%arg5 : memref<32768xi32, #tpu.memory_space<vmem>>) target_semaphore(%arg9 : memref<!tpu.dma_semaphore, #tpu.memory_space<semaphore_mem>>)
    %parallel_loop3A_31 = arith.constant 0 : i32
    %parallel_loop3A_32 = arith.constant 32768 : i32
    %parallel_loop3A_33 = arith.constant 16 : i32
    scf.for %parallel_loop3A_213 = %parallel_loop3A_31 to %parallel_loop3A_32 step %parallel_loop3A_33  : i32 {
      %parallel_loop3A_214 = arith.constant 0 : i32
      %parallel_loop3A_215 = arith.addi %parallel_loop3A_213, %parallel_loop3A_214 : i32
      %parallel_loop3A_216 = arith.index_cast %parallel_loop3A_215 : i32 to index
      %parallel_loop3A_217 = tpu.vector_load %arg4[%parallel_loop3A_216] {strides = array<i32>} : memref<32768xi32, #tpu.memory_space<vmem>>, vector<16xi32>,
      %parallel_loop3A_218 = arith.addi %parallel_loop3A_217, %mul3A_5 : vector<16xi32>
      %parallel_loop3A_219 = arith.constant 0 : i32
      %parallel_loop3A_220 = vector.broadcast %parallel_loop3A_219 : i32 to vector<16xi32>
      %parallel_loop3A_221 = arith.addi %parallel_loop3A_218, %parallel_loop3A_220 : vector<16xi32>
      tpu.vector_store_idx %arg6[%parallel_loop3A_221], %broadcast_in_dim3A_6 {add = true} : memref<16384xi32, #tpu.memory_space<vmem>>[vector<16xi32>], vector<16xi32>,
    } {sc.loop_unroll_factor = 8 : i64, sc.parallel_access}
    %broadcast_in_dim3A_34 = arith.constant -1 : i32
    %broadcast_in_dim3A_35 = vector.broadcast %broadcast_in_dim3A_34 : i32 to vector<16xi32>
    %broadcast_in_dim3A_36 = arith.constant 0 : i32
    %broadcast_in_dim3A_37 = vector.broadcast %broadcast_in_dim3A_36 : i32 to vector<16xi32>
    %parallel_loop3A_38 = arith.constant 0 : i32
    %parallel_loop3A_39 = arith.constant 63 : i32
    %parallel_loop3A_40 = arith.constant 1 : i32
    %parallel_loop3A_41:2 = scf.for %parallel_loop3A_213 = %parallel_loop3A_38 to %parallel_loop3A_39 step %parallel_loop3A_40 iter_args(%parallel_loop3A_214 = %broadcast_in_dim3A_35, %parallel_loop3A_215 = %broadcast_in_dim3A_37) -> (vector<16xi32>, vector<16xi32>)  : i32 {
      %parallel_loop3A_216 = arith.constant 16 : i32
      %parallel_loop3A_217 = arith.muli %parallel_loop3A_213, %parallel_loop3A_216 : i32
      %parallel_loop3A_218 = arith.index_cast %parallel_loop3A_217 : i32 to index
      %parallel_loop3A_219 = tpu.vector_load %arg6[%parallel_loop3A_218] {strides = array<i32>} : memref<16384xi32, #tpu.memory_space<vmem>>, vector<16xi32>,
      %parallel_loop3A_220 = arith.index_cast %parallel_loop3A_217 : i32 to index
      %parallel_loop3A_221 = tpu.vector_load %arg6[%parallel_loop3A_220] {strides = array<i32>} : memref<16384xi32, #tpu.memory_space<vmem>>, vector<16xi32>,
      tpu.vector_store %arg6[%parallel_loop3A_220], %broadcast_in_dim3A_8 {strides = array<i32>} : memref<16384xi32, #tpu.memory_space<vmem>>, vector<16xi32>,
      %parallel_loop3A_222 = arith.constant 1024 : i32
      %parallel_loop3A_223 = arith.addi %parallel_loop3A_222, %parallel_loop3A_217 : i32
      %parallel_loop3A_224 = arith.index_cast %parallel_loop3A_223 : i32 to index
      %parallel_loop3A_225 = tpu.vector_load %arg6[%parallel_loop3A_224] {strides = array<i32>} : memref<16384xi32, #tpu.memory_space<vmem>>, vector<16xi32>,
      %parallel_loop3A_226 = arith.addi %parallel_loop3A_219, %parallel_loop3A_225 : vector<16xi32>
      %parallel_loop3A_227 = arith.constant 1024 : i32
      %parallel_loop3A_228 = arith.addi %parallel_loop3A_227, %parallel_loop3A_217 : i32
      %parallel_loop3A_229 = arith.index_cast %parallel_loop3A_228 : i32 to index
      %parallel_loop3A_230 = tpu.vector_load %arg6[%parallel_loop3A_229] {strides = array<i32>} : memref<16384xi32, #tpu.memory_space<vmem>>, vector<16xi32>,
      tpu.vector_store %arg6[%parallel_loop3A_229], %broadcast_in_dim3A_8 {strides = array<i32>} : memref<16384xi32, #tpu.memory_space<vmem>>, vector<16xi32>,
      %parallel_loop3A_231 = arith.constant 2048 : i32
      %parallel_loop3A_232 = arith.addi %parallel_loop3A_231, %parallel_loop3A_217 : i32
      %parallel_loop3A_233 = arith.index_cast %parallel_loop3A_232 : i32 to index
      %parallel_loop3A_234 = tpu.vector_load %arg6[%parallel_loop3A_233] {strides = array<i32>} : memref<16384xi32, #tpu.memory_space<vmem>>, vector<16xi32>,
      %parallel_loop3A_235 = arith.addi %parallel_loop3A_226, %parallel_loop3A_234 : vector<16xi32>
      %parallel_loop3A_236 = arith.constant 2048 : i32
      %parallel_loop3A_237 = arith.addi %parallel_loop3A_236, %parallel_loop3A_217 : i32
      %parallel_loop3A_238 = arith.index_cast %parallel_loop3A_237 : i32 to index
      %parallel_loop3A_239 = tpu.vector_load %arg6[%parallel_loop3A_238] {strides = array<i32>} : memref<16384xi32, #tpu.memory_space<vmem>>, vector<16xi32>,
      tpu.vector_store %arg6[%parallel_loop3A_238], %broadcast_in_dim3A_8 {strides = array<i32>} : memref<16384xi32, #tpu.memory_space<vmem>>, vector<16xi32>,
      %parallel_loop3A_240 = arith.constant 3072 : i32
      %parallel_loop3A_241 = arith.addi %parallel_loop3A_240, %parallel_loop3A_217 : i32
      %parallel_loop3A_242 = arith.index_cast %parallel_loop3A_241 : i32 to index
      %parallel_loop3A_243 = tpu.vector_load %arg6[%parallel_loop3A_242] {strides = array<i32>} : memref<16384xi32, #tpu.memory_space<vmem>>, vector<16xi32>,
      %parallel_loop3A_244 = arith.addi %parallel_loop3A_235, %parallel_loop3A_243 : vector<16xi32>
      %parallel_loop3A_245 = arith.constant 3072 : i32
      %parallel_loop3A_246 = arith.addi %parallel_loop3A_245, %parallel_loop3A_217 : i32
      %parallel_loop3A_247 = arith.index_cast %parallel_loop3A_246 : i32 to index
      %parallel_loop3A_248 = tpu.vector_load %arg6[%parallel_loop3A_247] {strides = array<i32>} : memref<16384xi32, #tpu.memory_space<vmem>>, vector<16xi32>,
      tpu.vector_store %arg6[%parallel_loop3A_247], %broadcast_in_dim3A_8 {strides = array<i32>} : memref<16384xi32, #tpu.memory_space<vmem>>, vector<16xi32>,
      %parallel_loop3A_249 = arith.constant 4096 : i32
      %parallel_loop3A_250 = arith.addi %parallel_loop3A_249, %parallel_loop3A_217 : i32
      %parallel_loop3A_251 = arith.index_cast %parallel_loop3A_250 : i32 to index
      %parallel_loop3A_252 = tpu.vector_load %arg6[%parallel_loop3A_251] {strides = array<i32>} : memref<16384xi32, #tpu.memory_space<vmem>>, vector<16xi32>,
      %parallel_loop3A_253 = arith.addi %parallel_loop3A_244, %parallel_loop3A_252 : vector<16xi32>
      %parallel_loop3A_254 = arith.constant 4096 : i32
      %parallel_loop3A_255 = arith.addi %parallel_loop3A_254, %parallel_loop3A_217 : i32
      %parallel_loop3A_256 = arith.index_cast %parallel_loop3A_255 : i32 to index
      %parallel_loop3A_257 = tpu.vector_load %arg6[%parallel_loop3A_256] {strides = array<i32>} : memref<16384xi32, #tpu.memory_space<vmem>>, vector<16xi32>,
      tpu.vector_store %arg6[%parallel_loop3A_256], %broadcast_in_dim3A_8 {strides = array<i32>} : memref<16384xi32, #tpu.memory_space<vmem>>, vector<16xi32>,
      %parallel_loop3A_258 = arith.constant 5120 : i32
      %parallel_loop3A_259 = arith.addi %parallel_loop3A_258, %parallel_loop3A_217 : i32
      %parallel_loop3A_260 = arith.index_cast %parallel_loop3A_259 : i32 to index
      %parallel_loop3A_261 = tpu.vector_load %arg6[%parallel_loop3A_260] {strides = array<i32>} : memref<16384xi32, #tpu.memory_space<vmem>>, vector<16xi32>,
      %parallel_loop3A_262 = arith.addi %parallel_loop3A_253, %parallel_loop3A_261 : vector<16xi32>
      %parallel_loop3A_263 = arith.constant 5120 : i32
      %parallel_loop3A_264 = arith.addi %parallel_loop3A_263, %parallel_loop3A_217 : i32
      %parallel_loop3A_265 = arith.index_cast %parallel_loop3A_264 : i32 to index
      %parallel_loop3A_266 = tpu.vector_load %arg6[%parallel_loop3A_265] {strides = array<i32>} : memref<16384xi32, #tpu.memory_space<vmem>>, vector<16xi32>,
      tpu.vector_store %arg6[%parallel_loop3A_265], %broadcast_in_dim3A_8 {strides = array<i32>} : memref<16384xi32, #tpu.memory_space<vmem>>, vector<16xi32>,
      %parallel_loop3A_267 = arith.constant 6144 : i32
      %parallel_loop3A_268 = arith.addi %parallel_loop3A_267, %parallel_loop3A_217 : i32
      %parallel_loop3A_269 = arith.index_cast %parallel_loop3A_268 : i32 to index
      %parallel_loop3A_270 = tpu.vector_load %arg6[%parallel_loop3A_269] {strides = array<i32>} : memref<16384xi32, #tpu.memory_space<vmem>>, vector<16xi32>,
      %parallel_loop3A_271 = arith.addi %parallel_loop3A_262, %parallel_loop3A_270 : vector<16xi32>
      %parallel_loop3A_272 = arith.constant 6144 : i32
      %parallel_loop3A_273 = arith.addi %parallel_loop3A_272, %parallel_loop3A_217 : i32
      %parallel_loop3A_274 = arith.index_cast %parallel_loop3A_273 : i32 to index
      %parallel_loop3A_275 = tpu.vector_load %arg6[%parallel_loop3A_274] {strides = array<i32>} : memref<16384xi32, #tpu.memory_space<vmem>>, vector<16xi32>,
      tpu.vector_store %arg6[%parallel_loop3A_274], %broadcast_in_dim3A_8 {strides = array<i32>} : memref<16384xi32, #tpu.memory_space<vmem>>, vector<16xi32>,
      %parallel_loop3A_276 = arith.constant 7168 : i32
      %parallel_loop3A_277 = arith.addi %parallel_loop3A_276, %parallel_loop3A_217 : i32
      %parallel_loop3A_278 = arith.index_cast %parallel_loop3A_277 : i32 to index
      %parallel_loop3A_279 = tpu.vector_load %arg6[%parallel_loop3A_278] {strides = array<i32>} : memref<16384xi32, #tpu.memory_space<vmem>>, vector<16xi32>,
      %parallel_loop3A_280 = arith.addi %parallel_loop3A_271, %parallel_loop3A_279 : vector<16xi32>
      %parallel_loop3A_281 = arith.constant 7168 : i32
      %parallel_loop3A_282 = arith.addi %parallel_loop3A_281, %parallel_loop3A_217 : i32
      %parallel_loop3A_283 = arith.index_cast %parallel_loop3A_282 : i32 to index
      %parallel_loop3A_284 = tpu.vector_load %arg6[%parallel_loop3A_283] {strides = array<i32>} : memref<16384xi32, #tpu.memory_space<vmem>>, vector<16xi32>,
      tpu.vector_store %arg6[%parallel_loop3A_283], %broadcast_in_dim3A_8 {strides = array<i32>} : memref<16384xi32, #tpu.memory_space<vmem>>, vector<16xi32>,
      %parallel_loop3A_285 = arith.constant 8192 : i32
      %parallel_loop3A_286 = arith.addi %parallel_loop3A_285, %parallel_loop3A_217 : i32
      %parallel_loop3A_287 = arith.index_cast %parallel_loop3A_286 : i32 to index
      %parallel_loop3A_288 = tpu.vector_load %arg6[%parallel_loop3A_287] {strides = array<i32>} : memref<16384xi32, #tpu.memory_space<vmem>>, vector<16xi32>,
      %parallel_loop3A_289 = arith.addi %parallel_loop3A_280, %parallel_loop3A_288 : vector<16xi32>
      %parallel_loop3A_290 = arith.constant 8192 : i32
      %parallel_loop3A_291 = arith.addi %parallel_loop3A_290, %parallel_loop3A_217 : i32
      %parallel_loop3A_292 = arith.index_cast %parallel_loop3A_291 : i32 to index
      %parallel_loop3A_293 = tpu.vector_load %arg6[%parallel_loop3A_292] {strides = array<i32>} : memref<16384xi32, #tpu.memory_space<vmem>>, vector<16xi32>,
      tpu.vector_store %arg6[%parallel_loop3A_292], %broadcast_in_dim3A_8 {strides = array<i32>} : memref<16384xi32, #tpu.memory_space<vmem>>, vector<16xi32>,
      %parallel_loop3A_294 = arith.constant 9216 : i32
      %parallel_loop3A_295 = arith.addi %parallel_loop3A_294, %parallel_loop3A_217 : i32
      %parallel_loop3A_296 = arith.index_cast %parallel_loop3A_295 : i32 to index
      %parallel_loop3A_297 = tpu.vector_load %arg6[%parallel_loop3A_296] {strides = array<i32>} : memref<16384xi32, #tpu.memory_space<vmem>>, vector<16xi32>,
      %parallel_loop3A_298 = arith.addi %parallel_loop3A_289, %parallel_loop3A_297 : vector<16xi32>
      %parallel_loop3A_299 = arith.constant 9216 : i32
      %parallel_loop3A_300 = arith.addi %parallel_loop3A_299, %parallel_loop3A_217 : i32
      %parallel_loop3A_301 = arith.index_cast %parallel_loop3A_300 : i32 to index
      %parallel_loop3A_302 = tpu.vector_load %arg6[%parallel_loop3A_301] {strides = array<i32>} : memref<16384xi32, #tpu.memory_space<vmem>>, vector<16xi32>,
      tpu.vector_store %arg6[%parallel_loop3A_301], %broadcast_in_dim3A_8 {strides = array<i32>} : memref<16384xi32, #tpu.memory_space<vmem>>, vector<16xi32>,
      %parallel_loop3A_303 = arith.constant 10240 : i32
      %parallel_loop3A_304 = arith.addi %parallel_loop3A_303, %parallel_loop3A_217 : i32
      %parallel_loop3A_305 = arith.index_cast %parallel_loop3A_304 : i32 to index
      %parallel_loop3A_306 = tpu.vector_load %arg6[%parallel_loop3A_305] {strides = array<i32>} : memref<16384xi32, #tpu.memory_space<vmem>>, vector<16xi32>,
      %parallel_loop3A_307 = arith.addi %parallel_loop3A_298, %parallel_loop3A_306 : vector<16xi32>
      %parallel_loop3A_308 = arith.constant 10240 : i32
      %parallel_loop3A_309 = arith.addi %parallel_loop3A_308, %parallel_loop3A_217 : i32
      %parallel_loop3A_310 = arith.index_cast %parallel_loop3A_309 : i32 to index
      %parallel_loop3A_311 = tpu.vector_load %arg6[%parallel_loop3A_310] {strides = array<i32>} : memref<16384xi32, #tpu.memory_space<vmem>>, vector<16xi32>,
      tpu.vector_store %arg6[%parallel_loop3A_310], %broadcast_in_dim3A_8 {strides = array<i32>} : memref<16384xi32, #tpu.memory_space<vmem>>, vector<16xi32>,
      %parallel_loop3A_312 = arith.constant 11264 : i32
      %parallel_loop3A_313 = arith.addi %parallel_loop3A_312, %parallel_loop3A_217 : i32
      %parallel_loop3A_314 = arith.index_cast %parallel_loop3A_313 : i32 to index
      %parallel_loop3A_315 = tpu.vector_load %arg6[%parallel_loop3A_314] {strides = array<i32>} : memref<16384xi32, #tpu.memory_space<vmem>>, vector<16xi32>,
      %parallel_loop3A_316 = arith.addi %parallel_loop3A_307, %parallel_loop3A_315 : vector<16xi32>
      %parallel_loop3A_317 = arith.constant 11264 : i32
      %parallel_loop3A_318 = arith.addi %parallel_loop3A_317, %parallel_loop3A_217 : i32
      %parallel_loop3A_319 = arith.index_cast %parallel_loop3A_318 : i32 to index
      %parallel_loop3A_320 = tpu.vector_load %arg6[%parallel_loop3A_319] {strides = array<i32>} : memref<16384xi32, #tpu.memory_space<vmem>>, vector<16xi32>,
      tpu.vector_store %arg6[%parallel_loop3A_319], %broadcast_in_dim3A_8 {strides = array<i32>} : memref<16384xi32, #tpu.memory_space<vmem>>, vector<16xi32>,
      %parallel_loop3A_321 = arith.constant 12288 : i32
      %parallel_loop3A_322 = arith.addi %parallel_loop3A_321, %parallel_loop3A_217 : i32
      %parallel_loop3A_323 = arith.index_cast %parallel_loop3A_322 : i32 to index
      %parallel_loop3A_324 = tpu.vector_load %arg6[%parallel_loop3A_323] {strides = array<i32>} : memref<16384xi32, #tpu.memory_space<vmem>>, vector<16xi32>,
      %parallel_loop3A_325 = arith.addi %parallel_loop3A_316, %parallel_loop3A_324 : vector<16xi32>
      %parallel_loop3A_326 = arith.constant 12288 : i32
      %parallel_loop3A_327 = arith.addi %parallel_loop3A_326, %parallel_loop3A_217 : i32
      %parallel_loop3A_328 = arith.index_cast %parallel_loop3A_327 : i32 to index
      %parallel_loop3A_329 = tpu.vector_load %arg6[%parallel_loop3A_328] {strides = array<i32>} : memref<16384xi32, #tpu.memory_space<vmem>>, vector<16xi32>,
      tpu.vector_store %arg6[%parallel_loop3A_328], %broadcast_in_dim3A_8 {strides = array<i32>} : memref<16384xi32, #tpu.memory_space<vmem>>, vector<16xi32>,
      %parallel_loop3A_330 = arith.constant 13312 : i32
      %parallel_loop3A_331 = arith.addi %parallel_loop3A_330, %parallel_loop3A_217 : i32
      %parallel_loop3A_332 = arith.index_cast %parallel_loop3A_331 : i32 to index
      %parallel_loop3A_333 = tpu.vector_load %arg6[%parallel_loop3A_332] {strides = array<i32>} : memref<16384xi32, #tpu.memory_space<vmem>>, vector<16xi32>,
      %parallel_loop3A_334 = arith.addi %parallel_loop3A_325, %parallel_loop3A_333 : vector<16xi32>
      %parallel_loop3A_335 = arith.constant 13312 : i32
      %parallel_loop3A_336 = arith.addi %parallel_loop3A_335, %parallel_loop3A_217 : i32
      %parallel_loop3A_337 = arith.index_cast %parallel_loop3A_336 : i32 to index
      %parallel_loop3A_338 = tpu.vector_load %arg6[%parallel_loop3A_337] {strides = array<i32>} : memref<16384xi32, #tpu.memory_space<vmem>>, vector<16xi32>,
      tpu.vector_store %arg6[%parallel_loop3A_337], %broadcast_in_dim3A_8 {strides = array<i32>} : memref<16384xi32, #tpu.memory_space<vmem>>, vector<16xi32>,
      %parallel_loop3A_339 = arith.constant 14336 : i32
      %parallel_loop3A_340 = arith.addi %parallel_loop3A_339, %parallel_loop3A_217 : i32
      %parallel_loop3A_341 = arith.index_cast %parallel_loop3A_340 : i32 to index
      %parallel_loop3A_342 = tpu.vector_load %arg6[%parallel_loop3A_341] {strides = array<i32>} : memref<16384xi32, #tpu.memory_space<vmem>>, vector<16xi32>,
      %parallel_loop3A_343 = arith.addi %parallel_loop3A_334, %parallel_loop3A_342 : vector<16xi32>
      %parallel_loop3A_344 = arith.constant 14336 : i32
      %parallel_loop3A_345 = arith.addi %parallel_loop3A_344, %parallel_loop3A_217 : i32
      %parallel_loop3A_346 = arith.index_cast %parallel_loop3A_345 : i32 to index
      %parallel_loop3A_347 = tpu.vector_load %arg6[%parallel_loop3A_346] {strides = array<i32>} : memref<16384xi32, #tpu.memory_space<vmem>>, vector<16xi32>,
      tpu.vector_store %arg6[%parallel_loop3A_346], %broadcast_in_dim3A_8 {strides = array<i32>} : memref<16384xi32, #tpu.memory_space<vmem>>, vector<16xi32>,
      %parallel_loop3A_348 = arith.constant 15360 : i32
      %parallel_loop3A_349 = arith.addi %parallel_loop3A_348, %parallel_loop3A_217 : i32
      %parallel_loop3A_350 = arith.index_cast %parallel_loop3A_349 : i32 to index
      %parallel_loop3A_351 = tpu.vector_load %arg6[%parallel_loop3A_350] {strides = array<i32>} : memref<16384xi32, #tpu.memory_space<vmem>>, vector<16xi32>,
      %parallel_loop3A_352 = arith.addi %parallel_loop3A_343, %parallel_loop3A_351 : vector<16xi32>
      %parallel_loop3A_353 = arith.constant 15360 : i32
      %parallel_loop3A_354 = arith.addi %parallel_loop3A_353, %parallel_loop3A_217 : i32
      %parallel_loop3A_355 = arith.index_cast %parallel_loop3A_354 : i32 to index
      %parallel_loop3A_356 = tpu.vector_load %arg6[%parallel_loop3A_355] {strides = array<i32>} : memref<16384xi32, #tpu.memory_space<vmem>>, vector<16xi32>,
      tpu.vector_store %arg6[%parallel_loop3A_355], %broadcast_in_dim3A_8 {strides = array<i32>} : memref<16384xi32, #tpu.memory_space<vmem>>, vector<16xi32>,
      %parallel_loop3A_357 = arith.cmpi sgt, %parallel_loop3A_352, %parallel_loop3A_214 : vector<16xi32>
      %parallel_loop3A_358 = arith.select %parallel_loop3A_357, %parallel_loop3A_352, %parallel_loop3A_214 : vector<16xi1>, vector<16xi32>
      %parallel_loop3A_359 = vector.broadcast %parallel_loop3A_217 : i32 to vector<16xi32>
      %parallel_loop3A_360 = arith.addi %parallel_loop3A_359, %iota3A : vector<16xi32>
      %parallel_loop3A_361 = arith.select %parallel_loop3A_357, %parallel_loop3A_360, %parallel_loop3A_215 : vector<16xi1>, vector<16xi32>
      scf.yield %parallel_loop3A_358, %parallel_loop3A_361 : vector<16xi32>, vector<16xi32>
    } {sc.loop_unroll_factor = 1 : i64, sc.parallel_access}
    %reduce_max3A = arith.constant true
    %reduce_max3A_42 = vector.broadcast %reduce_max3A : i1 to vector<16xi1>
    %reduce_max3A_43 = arith.constant -2147483648 : i32
    %reduce_max3A_44 = vector.broadcast %reduce_max3A_43 : i32 to vector<16xi32>
    %reduce_max3A_45 = arith.xori %parallel_loop3A_41#0, %reduce_max3A_44 : vector<16xi32>
    %reduce_max3A_46 = tpu.scan <max>, %reduce_max3A_45 masked %reduce_max3A_42 : vector<16xi32>, vector<16xi1> -> vector<16xi32>
    %reduce_max3A_47 = arith.xori %reduce_max3A_46, %reduce_max3A_44 : vector<16xi32>
    %reduce_max3A_48 = vector.extract %reduce_max3A_47[15] : i32 from vector<16xi32>
    %eq3A = vector.broadcast %reduce_max3A_48 : i32 to vector<16xi32>
    %eq3A_49 = arith.cmpi eq, %parallel_loop3A_41#0, %eq3A : vector<16xi32>
    %broadcast_in_dim3A_50 = arith.constant 1073741824 : i32
    %broadcast_in_dim3A_51 = vector.broadcast %broadcast_in_dim3A_50 : i32 to vector<16xi32>
    %select_n3A = arith.select %eq3A_49, %parallel_loop3A_41#1, %broadcast_in_dim3A_51 : vector<16xi1>, vector<16xi32>
    %reduce_min3A = arith.constant true
    %reduce_min3A_52 = vector.broadcast %reduce_min3A : i1 to vector<16xi1>
    %reduce_min3A_53 = arith.constant -2147483648 : i32
    %reduce_min3A_54 = vector.broadcast %reduce_min3A_53 : i32 to vector<16xi32>
    %reduce_min3A_55 = arith.xori %select_n3A, %reduce_min3A_54 : vector<16xi32>
    %reduce_min3A_56 = tpu.scan <min>, %reduce_min3A_55 masked %reduce_min3A_52 : vector<16xi32>, vector<16xi1> -> vector<16xi32>
    %reduce_min3A_57 = arith.xori %reduce_min3A_56, %reduce_min3A_54 : vector<16xi32>
    %reduce_min3A_58 = vector.extract %reduce_min3A_57[15] : i32 from vector<16xi32>
    %parallel_loop3A_59 = arith.constant 0 : i32
    %parallel_loop3A_60 = arith.constant 1008 : i32
    %parallel_loop3A_61 = arith.constant 16 : i32
    scf.for %parallel_loop3A_213 = %parallel_loop3A_59 to %parallel_loop3A_60 step %parallel_loop3A_61  : i32 {
      %parallel_loop3A_214 = vector.broadcast %parallel_loop3A_213 : i32 to vector<16xi32>
      %parallel_loop3A_215 = arith.addi %iota3A, %parallel_loop3A_214 : vector<16xi32>
      %parallel_loop3A_216 = vector.broadcast %reduce_min3A_58 : i32 to vector<16xi32>
      %parallel_loop3A_217 = arith.cmpi eq, %parallel_loop3A_215, %parallel_loop3A_216 : vector<16xi32>
      %parallel_loop3A_218 = arith.constant 1.000000e+00 : f32
      %parallel_loop3A_219 = arith.constant 0.000000e+00 : f32
      %parallel_loop3A_220 = vector.broadcast %parallel_loop3A_218 : f32 to vector<16xf32>
      %parallel_loop3A_221 = vector.broadcast %parallel_loop3A_219 : f32 to vector<16xf32>
      %parallel_loop3A_222 = arith.select %parallel_loop3A_217, %parallel_loop3A_220, %parallel_loop3A_221 : vector<16xi1>, vector<16xf32>
      %parallel_loop3A_223 = arith.index_cast %parallel_loop3A_213 : i32 to index
      %parallel_loop3A_224 = tpu.vector_load %arg7[%parallel_loop3A_223] {strides = array<i32>} : memref<1008xf32, #tpu.memory_space<vmem>>, vector<16xf32>,
      tpu.vector_store %arg7[%parallel_loop3A_223], %parallel_loop3A_222 {strides = array<i32>} : memref<1008xf32, #tpu.memory_space<vmem>>, vector<16xf32>,
    } {sc.loop_unroll_factor = 4 : i64, sc.parallel_access}
    %add3A_62 = arith.constant 0 : i32
    %add3A_63 = arith.addi %mul3A_2, %add3A_62 : i32
    "tpu.region"() ({
      %run_scoped3A = tpu.sem_alloc : memref<!tpu.dma_semaphore, #tpu.memory_space<semaphore_mem>>
      %dma_start3A_213 = arith.constant 0 : i32
      %dma_start3A_214 = tpu.memref_slice %arg3[%add3A_63, %dma_start3A_213] : memref<128x1008xf32, #tpu.memory_space<hbm>> -> memref<1x1008xf32, #tpu.memory_space<hbm>>
      %dma_start3A_215 = tpu.memref_squeeze %dma_start3A_214 : memref<1x1008xf32, #tpu.memory_space<hbm>> -> memref<1008xf32, #tpu.memory_space<hbm>>
      %dma_start3A_216 = arith.constant 0 : i32
      %dma_start3A_217 = tpu.memref_slice %arg3[%add3A_63, %dma_start3A_216] : memref<128x1008xf32, #tpu.memory_space<hbm>> -> memref<1x1008xf32, #tpu.memory_space<hbm>>
      %dma_start3A_218 = tpu.memref_squeeze %dma_start3A_217 : memref<1x1008xf32, #tpu.memory_space<hbm>> -> memref<1008xf32, #tpu.memory_space<hbm>>
      tpu.enqueue_dma source(%arg7 : memref<1008xf32, #tpu.memory_space<vmem>>) target(%dma_start3A_218 : memref<1008xf32, #tpu.memory_space<hbm>>) target_semaphore(%run_scoped3A : memref<!tpu.dma_semaphore, #tpu.memory_space<semaphore_mem>>)
      %dma_wait3A_219 = arith.constant 0 : i32
      %dma_wait3A_220 = tpu.memref_slice %arg3[%add3A_63, %dma_wait3A_219] : memref<128x1008xf32, #tpu.memory_space<hbm>> -> memref<1x1008xf32, #tpu.memory_space<hbm>>
      %dma_wait3A_221 = tpu.memref_squeeze %dma_wait3A_220 : memref<1x1008xf32, #tpu.memory_space<hbm>> -> memref<1008xf32, #tpu.memory_space<hbm>>
      %dma_wait3A_222 = arith.constant 0 : i32
      %dma_wait3A_223 = tpu.memref_slice %arg3[%add3A_63, %dma_wait3A_222] : memref<128x1008xf32, #tpu.memory_space<hbm>> -> memref<1x1008xf32, #tpu.memory_space<hbm>>
      %dma_wait3A_224 = tpu.memref_squeeze %dma_wait3A_223 : memref<1x1008xf32, #tpu.memory_space<hbm>> -> memref<1008xf32, #tpu.memory_space<hbm>>
      tpu.wait_dma2 semaphore(%run_scoped3A : memref<!tpu.dma_semaphore, #tpu.memory_space<semaphore_mem>>) src(%arg7 : memref<1008xf32, #tpu.memory_space<vmem>>) dst(%dma_wait3A_224 : memref<1008xf32, #tpu.memory_space<hbm>>)
      tpu.yield
    }) : () -> ()
    %dma_wait3A_64 = arith.constant 0 : i32
    %dma_wait3A_65 = tpu.memref_slice %arg2[%add3A_24, %dma_wait3A_64] : memref<128x32768xi32, #tpu.memory_space<hbm>> -> memref<1x32768xi32, #tpu.memory_space<hbm>>
    %dma_wait3A_66 = tpu.memref_squeeze %dma_wait3A_65 : memref<1x32768xi32, #tpu.memory_space<hbm>> -> memref<32768xi32, #tpu.memory_space<hbm>>
    %dma_wait3A_67 = arith.constant 0 : i32
    %dma_wait3A_68 = tpu.memref_slice %arg2[%add3A_24, %dma_wait3A_67] : memref<128x32768xi32, #tpu.memory_space<hbm>> -> memref<1x32768xi32, #tpu.memory_space<hbm>>
    %dma_wait3A_69 = tpu.memref_squeeze %dma_wait3A_68 : memref<1x32768xi32, #tpu.memory_space<hbm>> -> memref<32768xi32, #tpu.memory_space<hbm>>
    tpu.wait_dma2 semaphore(%arg9 : memref<!tpu.dma_semaphore, #tpu.memory_space<semaphore_mem>>) src(%dma_wait3A_69 : memref<32768xi32, #tpu.memory_space<hbm>>) dst(%arg5 : memref<32768xi32, #tpu.memory_space<vmem>>)
    %add3A_70 = arith.constant 1 : i32
    %add3A_71 = arith.addi %mul3A_2, %add3A_70 : i32
    %add3A_72 = arith.constant 1 : i32
    %add3A_73 = arith.addi %add3A_71, %add3A_72 : i32
    %dma_start3A_74 = arith.constant 0 : i32
    %dma_start3A_75 = tpu.memref_slice %arg2[%add3A_73, %dma_start3A_74] : memref<128x32768xi32, #tpu.memory_space<hbm>> -> memref<1x32768xi32, #tpu.memory_space<hbm>>
    %dma_start3A_76 = tpu.memref_squeeze %dma_start3A_75 : memref<1x32768xi32, #tpu.memory_space<hbm>> -> memref<32768xi32, #tpu.memory_space<hbm>>
    %dma_start3A_77 = arith.constant 0 : i32
    %dma_start3A_78 = tpu.memref_slice %arg2[%add3A_73, %dma_start3A_77] : memref<128x32768xi32, #tpu.memory_space<hbm>> -> memref<1x32768xi32, #tpu.memory_space<hbm>>
    %dma_start3A_79 = tpu.memref_squeeze %dma_start3A_78 : memref<1x32768xi32, #tpu.memory_space<hbm>> -> memref<32768xi32, #tpu.memory_space<hbm>>
    tpu.enqueue_dma source(%dma_start3A_79 : memref<32768xi32, #tpu.memory_space<hbm>>) target(%arg4 : memref<32768xi32, #tpu.memory_space<vmem>>) target_semaphore(%arg8 : memref<!tpu.dma_semaphore, #tpu.memory_space<semaphore_mem>>)
    %parallel_loop3A_80 = arith.constant 0 : i32
    %parallel_loop3A_81 = arith.constant 32768 : i32
    %parallel_loop3A_82 = arith.constant 16 : i32
    scf.for %parallel_loop3A_213 = %parallel_loop3A_80 to %parallel_loop3A_81 step %parallel_loop3A_82  : i32 {
      %parallel_loop3A_214 = arith.constant 0 : i32
      %parallel_loop3A_215 = arith.addi %parallel_loop3A_213, %parallel_loop3A_214 : i32
      %parallel_loop3A_216 = arith.index_cast %parallel_loop3A_215 : i32 to index
      %parallel_loop3A_217 = tpu.vector_load %arg5[%parallel_loop3A_216] {strides = array<i32>} : memref<32768xi32, #tpu.memory_space<vmem>>, vector<16xi32>,
      %parallel_loop3A_218 = arith.addi %parallel_loop3A_217, %mul3A_5 : vector<16xi32>
      %parallel_loop3A_219 = arith.constant 0 : i32
      %parallel_loop3A_220 = vector.broadcast %parallel_loop3A_219 : i32 to vector<16xi32>
      %parallel_loop3A_221 = arith.addi %parallel_loop3A_218, %parallel_loop3A_220 : vector<16xi32>
      tpu.vector_store_idx %arg6[%parallel_loop3A_221], %broadcast_in_dim3A_6 {add = true} : memref<16384xi32, #tpu.memory_space<vmem>>[vector<16xi32>], vector<16xi32>,
    } {sc.loop_unroll_factor = 8 : i64, sc.parallel_access}
    %broadcast_in_dim3A_83 = arith.constant -1 : i32
    %broadcast_in_dim3A_84 = vector.broadcast %broadcast_in_dim3A_83 : i32 to vector<16xi32>
    %broadcast_in_dim3A_85 = arith.constant 0 : i32
    %broadcast_in_dim3A_86 = vector.broadcast %broadcast_in_dim3A_85 : i32 to vector<16xi32>
    %parallel_loop3A_87 = arith.constant 0 : i32
    %parallel_loop3A_88 = arith.constant 63 : i32
    %parallel_loop3A_89 = arith.constant 1 : i32
    %parallel_loop3A_90:2 = scf.for %parallel_loop3A_213 = %parallel_loop3A_87 to %parallel_loop3A_88 step %parallel_loop3A_89 iter_args(%parallel_loop3A_214 = %broadcast_in_dim3A_84, %parallel_loop3A_215 = %broadcast_in_dim3A_86) -> (vector<16xi32>, vector<16xi32>)  : i32 {
      %parallel_loop3A_216 = arith.constant 16 : i32
      %parallel_loop3A_217 = arith.muli %parallel_loop3A_213, %parallel_loop3A_216 : i32
      %parallel_loop3A_218 = arith.index_cast %parallel_loop3A_217 : i32 to index
      %parallel_loop3A_219 = tpu.vector_load %arg6[%parallel_loop3A_218] {strides = array<i32>} : memref<16384xi32, #tpu.memory_space<vmem>>, vector<16xi32>,
      %parallel_loop3A_220 = arith.index_cast %parallel_loop3A_217 : i32 to index
      %parallel_loop3A_221 = tpu.vector_load %arg6[%parallel_loop3A_220] {strides = array<i32>} : memref<16384xi32, #tpu.memory_space<vmem>>, vector<16xi32>,
      tpu.vector_store %arg6[%parallel_loop3A_220], %broadcast_in_dim3A_8 {strides = array<i32>} : memref<16384xi32, #tpu.memory_space<vmem>>, vector<16xi32>,
      %parallel_loop3A_222 = arith.constant 1024 : i32
      %parallel_loop3A_223 = arith.addi %parallel_loop3A_222, %parallel_loop3A_217 : i32
      %parallel_loop3A_224 = arith.index_cast %parallel_loop3A_223 : i32 to index
      %parallel_loop3A_225 = tpu.vector_load %arg6[%parallel_loop3A_224] {strides = array<i32>} : memref<16384xi32, #tpu.memory_space<vmem>>, vector<16xi32>,
      %parallel_loop3A_226 = arith.addi %parallel_loop3A_219, %parallel_loop3A_225 : vector<16xi32>
      %parallel_loop3A_227 = arith.constant 1024 : i32
      %parallel_loop3A_228 = arith.addi %parallel_loop3A_227, %parallel_loop3A_217 : i32
      %parallel_loop3A_229 = arith.index_cast %parallel_loop3A_228 : i32 to index
      %parallel_loop3A_230 = tpu.vector_load %arg6[%parallel_loop3A_229] {strides = array<i32>} : memref<16384xi32, #tpu.memory_space<vmem>>, vector<16xi32>,
      tpu.vector_store %arg6[%parallel_loop3A_229], %broadcast_in_dim3A_8 {strides = array<i32>} : memref<16384xi32, #tpu.memory_space<vmem>>, vector<16xi32>,
      %parallel_loop3A_231 = arith.constant 2048 : i32
      %parallel_loop3A_232 = arith.addi %parallel_loop3A_231, %parallel_loop3A_217 : i32
      %parallel_loop3A_233 = arith.index_cast %parallel_loop3A_232 : i32 to index
      %parallel_loop3A_234 = tpu.vector_load %arg6[%parallel_loop3A_233] {strides = array<i32>} : memref<16384xi32, #tpu.memory_space<vmem>>, vector<16xi32>,
      %parallel_loop3A_235 = arith.addi %parallel_loop3A_226, %parallel_loop3A_234 : vector<16xi32>
      %parallel_loop3A_236 = arith.constant 2048 : i32
      %parallel_loop3A_237 = arith.addi %parallel_loop3A_236, %parallel_loop3A_217 : i32
      %parallel_loop3A_238 = arith.index_cast %parallel_loop3A_237 : i32 to index
      %parallel_loop3A_239 = tpu.vector_load %arg6[%parallel_loop3A_238] {strides = array<i32>} : memref<16384xi32, #tpu.memory_space<vmem>>, vector<16xi32>,
      tpu.vector_store %arg6[%parallel_loop3A_238], %broadcast_in_dim3A_8 {strides = array<i32>} : memref<16384xi32, #tpu.memory_space<vmem>>, vector<16xi32>,
      %parallel_loop3A_240 = arith.constant 3072 : i32
      %parallel_loop3A_241 = arith.addi %parallel_loop3A_240, %parallel_loop3A_217 : i32
      %parallel_loop3A_242 = arith.index_cast %parallel_loop3A_241 : i32 to index
      %parallel_loop3A_243 = tpu.vector_load %arg6[%parallel_loop3A_242] {strides = array<i32>} : memref<16384xi32, #tpu.memory_space<vmem>>, vector<16xi32>,
      %parallel_loop3A_244 = arith.addi %parallel_loop3A_235, %parallel_loop3A_243 : vector<16xi32>
      %parallel_loop3A_245 = arith.constant 3072 : i32
      %parallel_loop3A_246 = arith.addi %parallel_loop3A_245, %parallel_loop3A_217 : i32
      %parallel_loop3A_247 = arith.index_cast %parallel_loop3A_246 : i32 to index
      %parallel_loop3A_248 = tpu.vector_load %arg6[%parallel_loop3A_247] {strides = array<i32>} : memref<16384xi32, #tpu.memory_space<vmem>>, vector<16xi32>,
      tpu.vector_store %arg6[%parallel_loop3A_247], %broadcast_in_dim3A_8 {strides = array<i32>} : memref<16384xi32, #tpu.memory_space<vmem>>, vector<16xi32>,
      %parallel_loop3A_249 = arith.constant 4096 : i32
      %parallel_loop3A_250 = arith.addi %parallel_loop3A_249, %parallel_loop3A_217 : i32
      %parallel_loop3A_251 = arith.index_cast %parallel_loop3A_250 : i32 to index
      %parallel_loop3A_252 = tpu.vector_load %arg6[%parallel_loop3A_251] {strides = array<i32>} : memref<16384xi32, #tpu.memory_space<vmem>>, vector<16xi32>,
      %parallel_loop3A_253 = arith.addi %parallel_loop3A_244, %parallel_loop3A_252 : vector<16xi32>
      %parallel_loop3A_254 = arith.constant 4096 : i32
      %parallel_loop3A_255 = arith.addi %parallel_loop3A_254, %parallel_loop3A_217 : i32
      %parallel_loop3A_256 = arith.index_cast %parallel_loop3A_255 : i32 to index
      %parallel_loop3A_257 = tpu.vector_load %arg6[%parallel_loop3A_256] {strides = array<i32>} : memref<16384xi32, #tpu.memory_space<vmem>>, vector<16xi32>,
      tpu.vector_store %arg6[%parallel_loop3A_256], %broadcast_in_dim3A_8 {strides = array<i32>} : memref<16384xi32, #tpu.memory_space<vmem>>, vector<16xi32>,
      %parallel_loop3A_258 = arith.constant 5120 : i32
      %parallel_loop3A_259 = arith.addi %parallel_loop3A_258, %parallel_loop3A_217 : i32
      %parallel_loop3A_260 = arith.index_cast %parallel_loop3A_259 : i32 to index
      %parallel_loop3A_261 = tpu.vector_load %arg6[%parallel_loop3A_260] {strides = array<i32>} : memref<16384xi32, #tpu.memory_space<vmem>>, vector<16xi32>,
      %parallel_loop3A_262 = arith.addi %parallel_loop3A_253, %parallel_loop3A_261 : vector<16xi32>
      %parallel_loop3A_263 = arith.constant 5120 : i32
      %parallel_loop3A_264 = arith.addi %parallel_loop3A_263, %parallel_loop3A_217 : i32
      %parallel_loop3A_265 = arith.index_cast %parallel_loop3A_264 : i32 to index
      %parallel_loop3A_266 = tpu.vector_load %arg6[%parallel_loop3A_265] {strides = array<i32>} : memref<16384xi32, #tpu.memory_space<vmem>>, vector<16xi32>,
      tpu.vector_store %arg6[%parallel_loop3A_265], %broadcast_in_dim3A_8 {strides = array<i32>} : memref<16384xi32, #tpu.memory_space<vmem>>, vector<16xi32>,
      %parallel_loop3A_267 = arith.constant 6144 : i32
      %parallel_loop3A_268 = arith.addi %parallel_loop3A_267, %parallel_loop3A_217 : i32
      %parallel_loop3A_269 = arith.index_cast %parallel_loop3A_268 : i32 to index
      %parallel_loop3A_270 = tpu.vector_load %arg6[%parallel_loop3A_269] {strides = array<i32>} : memref<16384xi32, #tpu.memory_space<vmem>>, vector<16xi32>,
      %parallel_loop3A_271 = arith.addi %parallel_loop3A_262, %parallel_loop3A_270 : vector<16xi32>
      %parallel_loop3A_272 = arith.constant 6144 : i32
      %parallel_loop3A_273 = arith.addi %parallel_loop3A_272, %parallel_loop3A_217 : i32
      %parallel_loop3A_274 = arith.index_cast %parallel_loop3A_273 : i32 to index
      %parallel_loop3A_275 = tpu.vector_load %arg6[%parallel_loop3A_274] {strides = array<i32>} : memref<16384xi32, #tpu.memory_space<vmem>>, vector<16xi32>,
      tpu.vector_store %arg6[%parallel_loop3A_274], %broadcast_in_dim3A_8 {strides = array<i32>} : memref<16384xi32, #tpu.memory_space<vmem>>, vector<16xi32>,
      %parallel_loop3A_276 = arith.constant 7168 : i32
      %parallel_loop3A_277 = arith.addi %parallel_loop3A_276, %parallel_loop3A_217 : i32
      %parallel_loop3A_278 = arith.index_cast %parallel_loop3A_277 : i32 to index
      %parallel_loop3A_279 = tpu.vector_load %arg6[%parallel_loop3A_278] {strides = array<i32>} : memref<16384xi32, #tpu.memory_space<vmem>>, vector<16xi32>,
      %parallel_loop3A_280 = arith.addi %parallel_loop3A_271, %parallel_loop3A_279 : vector<16xi32>
      %parallel_loop3A_281 = arith.constant 7168 : i32
      %parallel_loop3A_282 = arith.addi %parallel_loop3A_281, %parallel_loop3A_217 : i32
      %parallel_loop3A_283 = arith.index_cast %parallel_loop3A_282 : i32 to index
      %parallel_loop3A_284 = tpu.vector_load %arg6[%parallel_loop3A_283] {strides = array<i32>} : memref<16384xi32, #tpu.memory_space<vmem>>, vector<16xi32>,
      tpu.vector_store %arg6[%parallel_loop3A_283], %broadcast_in_dim3A_8 {strides = array<i32>} : memref<16384xi32, #tpu.memory_space<vmem>>, vector<16xi32>,
      %parallel_loop3A_285 = arith.constant 8192 : i32
      %parallel_loop3A_286 = arith.addi %parallel_loop3A_285, %parallel_loop3A_217 : i32
      %parallel_loop3A_287 = arith.index_cast %parallel_loop3A_286 : i32 to index
      %parallel_loop3A_288 = tpu.vector_load %arg6[%parallel_loop3A_287] {strides = array<i32>} : memref<16384xi32, #tpu.memory_space<vmem>>, vector<16xi32>,
      %parallel_loop3A_289 = arith.addi %parallel_loop3A_280, %parallel_loop3A_288 : vector<16xi32>
      %parallel_loop3A_290 = arith.constant 8192 : i32
      %parallel_loop3A_291 = arith.addi %parallel_loop3A_290, %parallel_loop3A_217 : i32
      %parallel_loop3A_292 = arith.index_cast %parallel_loop3A_291 : i32 to index
      %parallel_loop3A_293 = tpu.vector_load %arg6[%parallel_loop3A_292] {strides = array<i32>} : memref<16384xi32, #tpu.memory_space<vmem>>, vector<16xi32>,
      tpu.vector_store %arg6[%parallel_loop3A_292], %broadcast_in_dim3A_8 {strides = array<i32>} : memref<16384xi32, #tpu.memory_space<vmem>>, vector<16xi32>,
      %parallel_loop3A_294 = arith.constant 9216 : i32
      %parallel_loop3A_295 = arith.addi %parallel_loop3A_294, %parallel_loop3A_217 : i32
      %parallel_loop3A_296 = arith.index_cast %parallel_loop3A_295 : i32 to index
      %parallel_loop3A_297 = tpu.vector_load %arg6[%parallel_loop3A_296] {strides = array<i32>} : memref<16384xi32, #tpu.memory_space<vmem>>, vector<16xi32>,
      %parallel_loop3A_298 = arith.addi %parallel_loop3A_289, %parallel_loop3A_297 : vector<16xi32>
      %parallel_loop3A_299 = arith.constant 9216 : i32
      %parallel_loop3A_300 = arith.addi %parallel_loop3A_299, %parallel_loop3A_217 : i32
      %parallel_loop3A_301 = arith.index_cast %parallel_loop3A_300 : i32 to index
      %parallel_loop3A_302 = tpu.vector_load %arg6[%parallel_loop3A_301] {strides = array<i32>} : memref<16384xi32, #tpu.memory_space<vmem>>, vector<16xi32>,
      tpu.vector_store %arg6[%parallel_loop3A_301], %broadcast_in_dim3A_8 {strides = array<i32>} : memref<16384xi32, #tpu.memory_space<vmem>>, vector<16xi32>,
      %parallel_loop3A_303 = arith.constant 10240 : i32
      %parallel_loop3A_304 = arith.addi %parallel_loop3A_303, %parallel_loop3A_217 : i32
      %parallel_loop3A_305 = arith.index_cast %parallel_loop3A_304 : i32 to index
      %parallel_loop3A_306 = tpu.vector_load %arg6[%parallel_loop3A_305] {strides = array<i32>} : memref<16384xi32, #tpu.memory_space<vmem>>, vector<16xi32>,
      %parallel_loop3A_307 = arith.addi %parallel_loop3A_298, %parallel_loop3A_306 : vector<16xi32>
      %parallel_loop3A_308 = arith.constant 10240 : i32
      %parallel_loop3A_309 = arith.addi %parallel_loop3A_308, %parallel_loop3A_217 : i32
      %parallel_loop3A_310 = arith.index_cast %parallel_loop3A_309 : i32 to index
      %parallel_loop3A_311 = tpu.vector_load %arg6[%parallel_loop3A_310] {strides = array<i32>} : memref<16384xi32, #tpu.memory_space<vmem>>, vector<16xi32>,
      tpu.vector_store %arg6[%parallel_loop3A_310], %broadcast_in_dim3A_8 {strides = array<i32>} : memref<16384xi32, #tpu.memory_space<vmem>>, vector<16xi32>,
      %parallel_loop3A_312 = arith.constant 11264 : i32
      %parallel_loop3A_313 = arith.addi %parallel_loop3A_312, %parallel_loop3A_217 : i32
      %parallel_loop3A_314 = arith.index_cast %parallel_loop3A_313 : i32 to index
      %parallel_loop3A_315 = tpu.vector_load %arg6[%parallel_loop3A_314] {strides = array<i32>} : memref<16384xi32, #tpu.memory_space<vmem>>, vector<16xi32>,
      %parallel_loop3A_316 = arith.addi %parallel_loop3A_307, %parallel_loop3A_315 : vector<16xi32>
      %parallel_loop3A_317 = arith.constant 11264 : i32
      %parallel_loop3A_318 = arith.addi %parallel_loop3A_317, %parallel_loop3A_217 : i32
      %parallel_loop3A_319 = arith.index_cast %parallel_loop3A_318 : i32 to index
      %parallel_loop3A_320 = tpu.vector_load %arg6[%parallel_loop3A_319] {strides = array<i32>} : memref<16384xi32, #tpu.memory_space<vmem>>, vector<16xi32>,
      tpu.vector_store %arg6[%parallel_loop3A_319], %broadcast_in_dim3A_8 {strides = array<i32>} : memref<16384xi32, #tpu.memory_space<vmem>>, vector<16xi32>,
      %parallel_loop3A_321 = arith.constant 12288 : i32
      %parallel_loop3A_322 = arith.addi %parallel_loop3A_321, %parallel_loop3A_217 : i32
      %parallel_loop3A_323 = arith.index_cast %parallel_loop3A_322 : i32 to index
      %parallel_loop3A_324 = tpu.vector_load %arg6[%parallel_loop3A_323] {strides = array<i32>} : memref<16384xi32, #tpu.memory_space<vmem>>, vector<16xi32>,
      %parallel_loop3A_325 = arith.addi %parallel_loop3A_316, %parallel_loop3A_324 : vector<16xi32>
      %parallel_loop3A_326 = arith.constant 12288 : i32
      %parallel_loop3A_327 = arith.addi %parallel_loop3A_326, %parallel_loop3A_217 : i32
      %parallel_loop3A_328 = arith.index_cast %parallel_loop3A_327 : i32 to index
      %parallel_loop3A_329 = tpu.vector_load %arg6[%parallel_loop3A_328] {strides = array<i32>} : memref<16384xi32, #tpu.memory_space<vmem>>, vector<16xi32>,
      tpu.vector_store %arg6[%parallel_loop3A_328], %broadcast_in_dim3A_8 {strides = array<i32>} : memref<16384xi32, #tpu.memory_space<vmem>>, vector<16xi32>,
      %parallel_loop3A_330 = arith.constant 13312 : i32
      %parallel_loop3A_331 = arith.addi %parallel_loop3A_330, %parallel_loop3A_217 : i32
      %parallel_loop3A_332 = arith.index_cast %parallel_loop3A_331 : i32 to index
      %parallel_loop3A_333 = tpu.vector_load %arg6[%parallel_loop3A_332] {strides = array<i32>} : memref<16384xi32, #tpu.memory_space<vmem>>, vector<16xi32>,
      %parallel_loop3A_334 = arith.addi %parallel_loop3A_325, %parallel_loop3A_333 : vector<16xi32>
      %parallel_loop3A_335 = arith.constant 13312 : i32
      %parallel_loop3A_336 = arith.addi %parallel_loop3A_335, %parallel_loop3A_217 : i32
      %parallel_loop3A_337 = arith.index_cast %parallel_loop3A_336 : i32 to index
      %parallel_loop3A_338 = tpu.vector_load %arg6[%parallel_loop3A_337] {strides = array<i32>} : memref<16384xi32, #tpu.memory_space<vmem>>, vector<16xi32>,
      tpu.vector_store %arg6[%parallel_loop3A_337], %broadcast_in_dim3A_8 {strides = array<i32>} : memref<16384xi32, #tpu.memory_space<vmem>>, vector<16xi32>,
      %parallel_loop3A_339 = arith.constant 14336 : i32
      %parallel_loop3A_340 = arith.addi %parallel_loop3A_339, %parallel_loop3A_217 : i32
      %parallel_loop3A_341 = arith.index_cast %parallel_loop3A_340 : i32 to index
      %parallel_loop3A_342 = tpu.vector_load %arg6[%parallel_loop3A_341] {strides = array<i32>} : memref<16384xi32, #tpu.memory_space<vmem>>, vector<16xi32>,
      %parallel_loop3A_343 = arith.addi %parallel_loop3A_334, %parallel_loop3A_342 : vector<16xi32>
      %parallel_loop3A_344 = arith.constant 14336 : i32
      %parallel_loop3A_345 = arith.addi %parallel_loop3A_344, %parallel_loop3A_217 : i32
      %parallel_loop3A_346 = arith.index_cast %parallel_loop3A_345 : i32 to index
      %parallel_loop3A_347 = tpu.vector_load %arg6[%parallel_loop3A_346] {strides = array<i32>} : memref<16384xi32, #tpu.memory_space<vmem>>, vector<16xi32>,
      tpu.vector_store %arg6[%parallel_loop3A_346], %broadcast_in_dim3A_8 {strides = array<i32>} : memref<16384xi32, #tpu.memory_space<vmem>>, vector<16xi32>,
      %parallel_loop3A_348 = arith.constant 15360 : i32
      %parallel_loop3A_349 = arith.addi %parallel_loop3A_348, %parallel_loop3A_217 : i32
      %parallel_loop3A_350 = arith.index_cast %parallel_loop3A_349 : i32 to index
      %parallel_loop3A_351 = tpu.vector_load %arg6[%parallel_loop3A_350] {strides = array<i32>} : memref<16384xi32, #tpu.memory_space<vmem>>, vector<16xi32>,
      %parallel_loop3A_352 = arith.addi %parallel_loop3A_343, %parallel_loop3A_351 : vector<16xi32>
      %parallel_loop3A_353 = arith.constant 15360 : i32
      %parallel_loop3A_354 = arith.addi %parallel_loop3A_353, %parallel_loop3A_217 : i32
      %parallel_loop3A_355 = arith.index_cast %parallel_loop3A_354 : i32 to index
      %parallel_loop3A_356 = tpu.vector_load %arg6[%parallel_loop3A_355] {strides = array<i32>} : memref<16384xi32, #tpu.memory_space<vmem>>, vector<16xi32>,
      tpu.vector_store %arg6[%parallel_loop3A_355], %broadcast_in_dim3A_8 {strides = array<i32>} : memref<16384xi32, #tpu.memory_space<vmem>>, vector<16xi32>,
      %parallel_loop3A_357 = arith.cmpi sgt, %parallel_loop3A_352, %parallel_loop3A_214 : vector<16xi32>
      %parallel_loop3A_358 = arith.select %parallel_loop3A_357, %parallel_loop3A_352, %parallel_loop3A_214 : vector<16xi1>, vector<16xi32>
      %parallel_loop3A_359 = vector.broadcast %parallel_loop3A_217 : i32 to vector<16xi32>
      %parallel_loop3A_360 = arith.addi %parallel_loop3A_359, %iota3A : vector<16xi32>
      %parallel_loop3A_361 = arith.select %parallel_loop3A_357, %parallel_loop3A_360, %parallel_loop3A_215 : vector<16xi1>, vector<16xi32>
      scf.yield %parallel_loop3A_358, %parallel_loop3A_361 : vector<16xi32>, vector<16xi32>
    } {sc.loop_unroll_factor = 1 : i64, sc.parallel_access}
    %reduce_max3A_91 = arith.constant true
    %reduce_max3A_92 = vector.broadcast %reduce_max3A_91 : i1 to vector<16xi1>
    %reduce_max3A_93 = arith.constant -2147483648 : i32
    %reduce_max3A_94 = vector.broadcast %reduce_max3A_93 : i32 to vector<16xi32>
    %reduce_max3A_95 = arith.xori %parallel_loop3A_90#0, %reduce_max3A_94 : vector<16xi32>
    %reduce_max3A_96 = tpu.scan <max>, %reduce_max3A_95 masked %reduce_max3A_92 : vector<16xi32>, vector<16xi1> -> vector<16xi32>
    %reduce_max3A_97 = arith.xori %reduce_max3A_96, %reduce_max3A_94 : vector<16xi32>
    %reduce_max3A_98 = vector.extract %reduce_max3A_97[15] : i32 from vector<16xi32>
    %eq3A_99 = vector.broadcast %reduce_max3A_98 : i32 to vector<16xi32>
    %eq3A_100 = arith.cmpi eq, %parallel_loop3A_90#0, %eq3A_99 : vector<16xi32>
    %broadcast_in_dim3A_101 = arith.constant 1073741824 : i32
    %broadcast_in_dim3A_102 = vector.broadcast %broadcast_in_dim3A_101 : i32 to vector<16xi32>
    %select_n3A_103 = arith.select %eq3A_100, %parallel_loop3A_90#1, %broadcast_in_dim3A_102 : vector<16xi1>, vector<16xi32>
    %reduce_min3A_104 = arith.constant true
    %reduce_min3A_105 = vector.broadcast %reduce_min3A_104 : i1 to vector<16xi1>
    %reduce_min3A_106 = arith.constant -2147483648 : i32
    %reduce_min3A_107 = vector.broadcast %reduce_min3A_106 : i32 to vector<16xi32>
    %reduce_min3A_108 = arith.xori %select_n3A_103, %reduce_min3A_107 : vector<16xi32>
    %reduce_min3A_109 = tpu.scan <min>, %reduce_min3A_108 masked %reduce_min3A_105 : vector<16xi32>, vector<16xi1> -> vector<16xi32>
    %reduce_min3A_110 = arith.xori %reduce_min3A_109, %reduce_min3A_107 : vector<16xi32>
    %reduce_min3A_111 = vector.extract %reduce_min3A_110[15] : i32 from vector<16xi32>
    %parallel_loop3A_112 = arith.constant 0 : i32
    %parallel_loop3A_113 = arith.constant 1008 : i32
    %parallel_loop3A_114 = arith.constant 16 : i32
    scf.for %parallel_loop3A_213 = %parallel_loop3A_112 to %parallel_loop3A_113 step %parallel_loop3A_114  : i32 {
      %parallel_loop3A_214 = vector.broadcast %parallel_loop3A_213 : i32 to vector<16xi32>
      %parallel_loop3A_215 = arith.addi %iota3A, %parallel_loop3A_214 : vector<16xi32>
      %parallel_loop3A_216 = vector.broadcast %reduce_min3A_111 : i32 to vector<16xi32>
      %parallel_loop3A_217 = arith.cmpi eq, %parallel_loop3A_215, %parallel_loop3A_216 : vector<16xi32>
      %parallel_loop3A_218 = arith.constant 1.000000e+00 : f32
      %parallel_loop3A_219 = arith.constant 0.000000e+00 : f32
      %parallel_loop3A_220 = vector.broadcast %parallel_loop3A_218 : f32 to vector<16xf32>
      %parallel_loop3A_221 = vector.broadcast %parallel_loop3A_219 : f32 to vector<16xf32>
      %parallel_loop3A_222 = arith.select %parallel_loop3A_217, %parallel_loop3A_220, %parallel_loop3A_221 : vector<16xi1>, vector<16xf32>
      %parallel_loop3A_223 = arith.index_cast %parallel_loop3A_213 : i32 to index
      %parallel_loop3A_224 = tpu.vector_load %arg7[%parallel_loop3A_223] {strides = array<i32>} : memref<1008xf32, #tpu.memory_space<vmem>>, vector<16xf32>,
      tpu.vector_store %arg7[%parallel_loop3A_223], %parallel_loop3A_222 {strides = array<i32>} : memref<1008xf32, #tpu.memory_space<vmem>>, vector<16xf32>,
    } {sc.loop_unroll_factor = 4 : i64, sc.parallel_access}
    %add3A_115 = arith.constant 1 : i32
    %add3A_116 = arith.addi %mul3A_2, %add3A_115 : i32
    "tpu.region"() ({
      %run_scoped3A = tpu.sem_alloc : memref<!tpu.dma_semaphore, #tpu.memory_space<semaphore_mem>>
      %dma_start3A_213 = arith.constant 0 : i32
      %dma_start3A_214 = tpu.memref_slice %arg3[%add3A_116, %dma_start3A_213] : memref<128x1008xf32, #tpu.memory_space<hbm>> -> memref<1x1008xf32, #tpu.memory_space<hbm>>
      %dma_start3A_215 = tpu.memref_squeeze %dma_start3A_214 : memref<1x1008xf32, #tpu.memory_space<hbm>> -> memref<1008xf32, #tpu.memory_space<hbm>>
      %dma_start3A_216 = arith.constant 0 : i32
      %dma_start3A_217 = tpu.memref_slice %arg3[%add3A_116, %dma_start3A_216] : memref<128x1008xf32, #tpu.memory_space<hbm>> -> memref<1x1008xf32, #tpu.memory_space<hbm>>
      %dma_start3A_218 = tpu.memref_squeeze %dma_start3A_217 : memref<1x1008xf32, #tpu.memory_space<hbm>> -> memref<1008xf32, #tpu.memory_space<hbm>>
      tpu.enqueue_dma source(%arg7 : memref<1008xf32, #tpu.memory_space<vmem>>) target(%dma_start3A_218 : memref<1008xf32, #tpu.memory_space<hbm>>) target_semaphore(%run_scoped3A : memref<!tpu.dma_semaphore, #tpu.memory_space<semaphore_mem>>)
      %dma_wait3A_219 = arith.constant 0 : i32
      %dma_wait3A_220 = tpu.memref_slice %arg3[%add3A_116, %dma_wait3A_219] : memref<128x1008xf32, #tpu.memory_space<hbm>> -> memref<1x1008xf32, #tpu.memory_space<hbm>>
      %dma_wait3A_221 = tpu.memref_squeeze %dma_wait3A_220 : memref<1x1008xf32, #tpu.memory_space<hbm>> -> memref<1008xf32, #tpu.memory_space<hbm>>
      %dma_wait3A_222 = arith.constant 0 : i32
      %dma_wait3A_223 = tpu.memref_slice %arg3[%add3A_116, %dma_wait3A_222] : memref<128x1008xf32, #tpu.memory_space<hbm>> -> memref<1x1008xf32, #tpu.memory_space<hbm>>
      %dma_wait3A_224 = tpu.memref_squeeze %dma_wait3A_223 : memref<1x1008xf32, #tpu.memory_space<hbm>> -> memref<1008xf32, #tpu.memory_space<hbm>>
      tpu.wait_dma2 semaphore(%run_scoped3A : memref<!tpu.dma_semaphore, #tpu.memory_space<semaphore_mem>>) src(%arg7 : memref<1008xf32, #tpu.memory_space<vmem>>) dst(%dma_wait3A_224 : memref<1008xf32, #tpu.memory_space<hbm>>)
      tpu.yield
    }) : () -> ()
    %dma_wait3A_117 = arith.constant 0 : i32
    %dma_wait3A_118 = tpu.memref_slice %arg2[%add3A_73, %dma_wait3A_117] : memref<128x32768xi32, #tpu.memory_space<hbm>> -> memref<1x32768xi32, #tpu.memory_space<hbm>>
    %dma_wait3A_119 = tpu.memref_squeeze %dma_wait3A_118 : memref<1x32768xi32, #tpu.memory_space<hbm>> -> memref<32768xi32, #tpu.memory_space<hbm>>
    %dma_wait3A_120 = arith.constant 0 : i32
    %dma_wait3A_121 = tpu.memref_slice %arg2[%add3A_73, %dma_wait3A_120] : memref<128x32768xi32, #tpu.memory_space<hbm>> -> memref<1x32768xi32, #tpu.memory_space<hbm>>
    %dma_wait3A_122 = tpu.memref_squeeze %dma_wait3A_121 : memref<1x32768xi32, #tpu.memory_space<hbm>> -> memref<32768xi32, #tpu.memory_space<hbm>>
    tpu.wait_dma2 semaphore(%arg8 : memref<!tpu.dma_semaphore, #tpu.memory_space<semaphore_mem>>) src(%dma_wait3A_122 : memref<32768xi32, #tpu.memory_space<hbm>>) dst(%arg4 : memref<32768xi32, #tpu.memory_space<vmem>>)
    %add3A_123 = arith.constant 2 : i32
    %add3A_124 = arith.addi %mul3A_2, %add3A_123 : i32
    %add3A_125 = arith.constant 1 : i32
    %add3A_126 = arith.addi %add3A_124, %add3A_125 : i32
    %dma_start3A_127 = arith.constant 0 : i32
    %dma_start3A_128 = tpu.memref_slice %arg2[%add3A_126, %dma_start3A_127] : memref<128x32768xi32, #tpu.memory_space<hbm>> -> memref<1x32768xi32, #tpu.memory_space<hbm>>
    %dma_start3A_129 = tpu.memref_squeeze %dma_start3A_128 : memref<1x32768xi32, #tpu.memory_space<hbm>> -> memref<32768xi32, #tpu.memory_space<hbm>>
    %dma_start3A_130 = arith.constant 0 : i32
    %dma_start3A_131 = tpu.memref_slice %arg2[%add3A_126, %dma_start3A_130] : memref<128x32768xi32, #tpu.memory_space<hbm>> -> memref<1x32768xi32, #tpu.memory_space<hbm>>
    %dma_start3A_132 = tpu.memref_squeeze %dma_start3A_131 : memref<1x32768xi32, #tpu.memory_space<hbm>> -> memref<32768xi32, #tpu.memory_space<hbm>>
    tpu.enqueue_dma source(%dma_start3A_132 : memref<32768xi32, #tpu.memory_space<hbm>>) target(%arg5 : memref<32768xi32, #tpu.memory_space<vmem>>) target_semaphore(%arg9 : memref<!tpu.dma_semaphore, #tpu.memory_space<semaphore_mem>>)
    %parallel_loop3A_133 = arith.constant 0 : i32
    %parallel_loop3A_134 = arith.constant 32768 : i32
    %parallel_loop3A_135 = arith.constant 16 : i32
    scf.for %parallel_loop3A_213 = %parallel_loop3A_133 to %parallel_loop3A_134 step %parallel_loop3A_135  : i32 {
      %parallel_loop3A_214 = arith.constant 0 : i32
      %parallel_loop3A_215 = arith.addi %parallel_loop3A_213, %parallel_loop3A_214 : i32
      %parallel_loop3A_216 = arith.index_cast %parallel_loop3A_215 : i32 to index
      %parallel_loop3A_217 = tpu.vector_load %arg4[%parallel_loop3A_216] {strides = array<i32>} : memref<32768xi32, #tpu.memory_space<vmem>>, vector<16xi32>,
      %parallel_loop3A_218 = arith.addi %parallel_loop3A_217, %mul3A_5 : vector<16xi32>
      %parallel_loop3A_219 = arith.constant 0 : i32
      %parallel_loop3A_220 = vector.broadcast %parallel_loop3A_219 : i32 to vector<16xi32>
      %parallel_loop3A_221 = arith.addi %parallel_loop3A_218, %parallel_loop3A_220 : vector<16xi32>
      tpu.vector_store_idx %arg6[%parallel_loop3A_221], %broadcast_in_dim3A_6 {add = true} : memref<16384xi32, #tpu.memory_space<vmem>>[vector<16xi32>], vector<16xi32>,
    } {sc.loop_unroll_factor = 8 : i64, sc.parallel_access}
    %broadcast_in_dim3A_136 = arith.constant -1 : i32
    %broadcast_in_dim3A_137 = vector.broadcast %broadcast_in_dim3A_136 : i32 to vector<16xi32>
    %broadcast_in_dim3A_138 = arith.constant 0 : i32
    %broadcast_in_dim3A_139 = vector.broadcast %broadcast_in_dim3A_138 : i32 to vector<16xi32>
    %parallel_loop3A_140 = arith.constant 0 : i32
    %parallel_loop3A_141 = arith.constant 63 : i32
    %parallel_loop3A_142 = arith.constant 1 : i32
    %parallel_loop3A_143:2 = scf.for %parallel_loop3A_213 = %parallel_loop3A_140 to %parallel_loop3A_141 step %parallel_loop3A_142 iter_args(%parallel_loop3A_214 = %broadcast_in_dim3A_137, %parallel_loop3A_215 = %broadcast_in_dim3A_139) -> (vector<16xi32>, vector<16xi32>)  : i32 {
      %parallel_loop3A_216 = arith.constant 16 : i32
      %parallel_loop3A_217 = arith.muli %parallel_loop3A_213, %parallel_loop3A_216 : i32
      %parallel_loop3A_218 = arith.index_cast %parallel_loop3A_217 : i32 to index
      %parallel_loop3A_219 = tpu.vector_load %arg6[%parallel_loop3A_218] {strides = array<i32>} : memref<16384xi32, #tpu.memory_space<vmem>>, vector<16xi32>,
      %parallel_loop3A_220 = arith.index_cast %parallel_loop3A_217 : i32 to index
      %parallel_loop3A_221 = tpu.vector_load %arg6[%parallel_loop3A_220] {strides = array<i32>} : memref<16384xi32, #tpu.memory_space<vmem>>, vector<16xi32>,
      tpu.vector_store %arg6[%parallel_loop3A_220], %broadcast_in_dim3A_8 {strides = array<i32>} : memref<16384xi32, #tpu.memory_space<vmem>>, vector<16xi32>,
      %parallel_loop3A_222 = arith.constant 1024 : i32
      %parallel_loop3A_223 = arith.addi %parallel_loop3A_222, %parallel_loop3A_217 : i32
      %parallel_loop3A_224 = arith.index_cast %parallel_loop3A_223 : i32 to index
      %parallel_loop3A_225 = tpu.vector_load %arg6[%parallel_loop3A_224] {strides = array<i32>} : memref<16384xi32, #tpu.memory_space<vmem>>, vector<16xi32>,
      %parallel_loop3A_226 = arith.addi %parallel_loop3A_219, %parallel_loop3A_225 : vector<16xi32>
      %parallel_loop3A_227 = arith.constant 1024 : i32
      %parallel_loop3A_228 = arith.addi %parallel_loop3A_227, %parallel_loop3A_217 : i32
      %parallel_loop3A_229 = arith.index_cast %parallel_loop3A_228 : i32 to index
      %parallel_loop3A_230 = tpu.vector_load %arg6[%parallel_loop3A_229] {strides = array<i32>} : memref<16384xi32, #tpu.memory_space<vmem>>, vector<16xi32>,
      tpu.vector_store %arg6[%parallel_loop3A_229], %broadcast_in_dim3A_8 {strides = array<i32>} : memref<16384xi32, #tpu.memory_space<vmem>>, vector<16xi32>,
      %parallel_loop3A_231 = arith.constant 2048 : i32
      %parallel_loop3A_232 = arith.addi %parallel_loop3A_231, %parallel_loop3A_217 : i32
      %parallel_loop3A_233 = arith.index_cast %parallel_loop3A_232 : i32 to index
      %parallel_loop3A_234 = tpu.vector_load %arg6[%parallel_loop3A_233] {strides = array<i32>} : memref<16384xi32, #tpu.memory_space<vmem>>, vector<16xi32>,
      %parallel_loop3A_235 = arith.addi %parallel_loop3A_226, %parallel_loop3A_234 : vector<16xi32>
      %parallel_loop3A_236 = arith.constant 2048 : i32
      %parallel_loop3A_237 = arith.addi %parallel_loop3A_236, %parallel_loop3A_217 : i32
      %parallel_loop3A_238 = arith.index_cast %parallel_loop3A_237 : i32 to index
      %parallel_loop3A_239 = tpu.vector_load %arg6[%parallel_loop3A_238] {strides = array<i32>} : memref<16384xi32, #tpu.memory_space<vmem>>, vector<16xi32>,
      tpu.vector_store %arg6[%parallel_loop3A_238], %broadcast_in_dim3A_8 {strides = array<i32>} : memref<16384xi32, #tpu.memory_space<vmem>>, vector<16xi32>,
      %parallel_loop3A_240 = arith.constant 3072 : i32
      %parallel_loop3A_241 = arith.addi %parallel_loop3A_240, %parallel_loop3A_217 : i32
      %parallel_loop3A_242 = arith.index_cast %parallel_loop3A_241 : i32 to index
      %parallel_loop3A_243 = tpu.vector_load %arg6[%parallel_loop3A_242] {strides = array<i32>} : memref<16384xi32, #tpu.memory_space<vmem>>, vector<16xi32>,
      %parallel_loop3A_244 = arith.addi %parallel_loop3A_235, %parallel_loop3A_243 : vector<16xi32>
      %parallel_loop3A_245 = arith.constant 3072 : i32
      %parallel_loop3A_246 = arith.addi %parallel_loop3A_245, %parallel_loop3A_217 : i32
      %parallel_loop3A_247 = arith.index_cast %parallel_loop3A_246 : i32 to index
      %parallel_loop3A_248 = tpu.vector_load %arg6[%parallel_loop3A_247] {strides = array<i32>} : memref<16384xi32, #tpu.memory_space<vmem>>, vector<16xi32>,
      tpu.vector_store %arg6[%parallel_loop3A_247], %broadcast_in_dim3A_8 {strides = array<i32>} : memref<16384xi32, #tpu.memory_space<vmem>>, vector<16xi32>,
      %parallel_loop3A_249 = arith.constant 4096 : i32
      %parallel_loop3A_250 = arith.addi %parallel_loop3A_249, %parallel_loop3A_217 : i32
      %parallel_loop3A_251 = arith.index_cast %parallel_loop3A_250 : i32 to index
      %parallel_loop3A_252 = tpu.vector_load %arg6[%parallel_loop3A_251] {strides = array<i32>} : memref<16384xi32, #tpu.memory_space<vmem>>, vector<16xi32>,
      %parallel_loop3A_253 = arith.addi %parallel_loop3A_244, %parallel_loop3A_252 : vector<16xi32>
      %parallel_loop3A_254 = arith.constant 4096 : i32
      %parallel_loop3A_255 = arith.addi %parallel_loop3A_254, %parallel_loop3A_217 : i32
      %parallel_loop3A_256 = arith.index_cast %parallel_loop3A_255 : i32 to index
      %parallel_loop3A_257 = tpu.vector_load %arg6[%parallel_loop3A_256] {strides = array<i32>} : memref<16384xi32, #tpu.memory_space<vmem>>, vector<16xi32>,
      tpu.vector_store %arg6[%parallel_loop3A_256], %broadcast_in_dim3A_8 {strides = array<i32>} : memref<16384xi32, #tpu.memory_space<vmem>>, vector<16xi32>,
      %parallel_loop3A_258 = arith.constant 5120 : i32
      %parallel_loop3A_259 = arith.addi %parallel_loop3A_258, %parallel_loop3A_217 : i32
      %parallel_loop3A_260 = arith.index_cast %parallel_loop3A_259 : i32 to index
      %parallel_loop3A_261 = tpu.vector_load %arg6[%parallel_loop3A_260] {strides = array<i32>} : memref<16384xi32, #tpu.memory_space<vmem>>, vector<16xi32>,
      %parallel_loop3A_262 = arith.addi %parallel_loop3A_253, %parallel_loop3A_261 : vector<16xi32>
      %parallel_loop3A_263 = arith.constant 5120 : i32
      %parallel_loop3A_264 = arith.addi %parallel_loop3A_263, %parallel_loop3A_217 : i32
      %parallel_loop3A_265 = arith.index_cast %parallel_loop3A_264 : i32 to index
      %parallel_loop3A_266 = tpu.vector_load %arg6[%parallel_loop3A_265] {strides = array<i32>} : memref<16384xi32, #tpu.memory_space<vmem>>, vector<16xi32>,
      tpu.vector_store %arg6[%parallel_loop3A_265], %broadcast_in_dim3A_8 {strides = array<i32>} : memref<16384xi32, #tpu.memory_space<vmem>>, vector<16xi32>,
      %parallel_loop3A_267 = arith.constant 6144 : i32
      %parallel_loop3A_268 = arith.addi %parallel_loop3A_267, %parallel_loop3A_217 : i32
      %parallel_loop3A_269 = arith.index_cast %parallel_loop3A_268 : i32 to index
      %parallel_loop3A_270 = tpu.vector_load %arg6[%parallel_loop3A_269] {strides = array<i32>} : memref<16384xi32, #tpu.memory_space<vmem>>, vector<16xi32>,
      %parallel_loop3A_271 = arith.addi %parallel_loop3A_262, %parallel_loop3A_270 : vector<16xi32>
      %parallel_loop3A_272 = arith.constant 6144 : i32
      %parallel_loop3A_273 = arith.addi %parallel_loop3A_272, %parallel_loop3A_217 : i32
      %parallel_loop3A_274 = arith.index_cast %parallel_loop3A_273 : i32 to index
      %parallel_loop3A_275 = tpu.vector_load %arg6[%parallel_loop3A_274] {strides = array<i32>} : memref<16384xi32, #tpu.memory_space<vmem>>, vector<16xi32>,
      tpu.vector_store %arg6[%parallel_loop3A_274], %broadcast_in_dim3A_8 {strides = array<i32>} : memref<16384xi32, #tpu.memory_space<vmem>>, vector<16xi32>,
      %parallel_loop3A_276 = arith.constant 7168 : i32
      %parallel_loop3A_277 = arith.addi %parallel_loop3A_276, %parallel_loop3A_217 : i32
      %parallel_loop3A_278 = arith.index_cast %parallel_loop3A_277 : i32 to index
      %parallel_loop3A_279 = tpu.vector_load %arg6[%parallel_loop3A_278] {strides = array<i32>} : memref<16384xi32, #tpu.memory_space<vmem>>, vector<16xi32>,
      %parallel_loop3A_280 = arith.addi %parallel_loop3A_271, %parallel_loop3A_279 : vector<16xi32>
      %parallel_loop3A_281 = arith.constant 7168 : i32
      %parallel_loop3A_282 = arith.addi %parallel_loop3A_281, %parallel_loop3A_217 : i32
      %parallel_loop3A_283 = arith.index_cast %parallel_loop3A_282 : i32 to index
      %parallel_loop3A_284 = tpu.vector_load %arg6[%parallel_loop3A_283] {strides = array<i32>} : memref<16384xi32, #tpu.memory_space<vmem>>, vector<16xi32>,
      tpu.vector_store %arg6[%parallel_loop3A_283], %broadcast_in_dim3A_8 {strides = array<i32>} : memref<16384xi32, #tpu.memory_space<vmem>>, vector<16xi32>,
      %parallel_loop3A_285 = arith.constant 8192 : i32
      %parallel_loop3A_286 = arith.addi %parallel_loop3A_285, %parallel_loop3A_217 : i32
      %parallel_loop3A_287 = arith.index_cast %parallel_loop3A_286 : i32 to index
      %parallel_loop3A_288 = tpu.vector_load %arg6[%parallel_loop3A_287] {strides = array<i32>} : memref<16384xi32, #tpu.memory_space<vmem>>, vector<16xi32>,
      %parallel_loop3A_289 = arith.addi %parallel_loop3A_280, %parallel_loop3A_288 : vector<16xi32>
      %parallel_loop3A_290 = arith.constant 8192 : i32
      %parallel_loop3A_291 = arith.addi %parallel_loop3A_290, %parallel_loop3A_217 : i32
      %parallel_loop3A_292 = arith.index_cast %parallel_loop3A_291 : i32 to index
      %parallel_loop3A_293 = tpu.vector_load %arg6[%parallel_loop3A_292] {strides = array<i32>} : memref<16384xi32, #tpu.memory_space<vmem>>, vector<16xi32>,
      tpu.vector_store %arg6[%parallel_loop3A_292], %broadcast_in_dim3A_8 {strides = array<i32>} : memref<16384xi32, #tpu.memory_space<vmem>>, vector<16xi32>,
      %parallel_loop3A_294 = arith.constant 9216 : i32
      %parallel_loop3A_295 = arith.addi %parallel_loop3A_294, %parallel_loop3A_217 : i32
      %parallel_loop3A_296 = arith.index_cast %parallel_loop3A_295 : i32 to index
      %parallel_loop3A_297 = tpu.vector_load %arg6[%parallel_loop3A_296] {strides = array<i32>} : memref<16384xi32, #tpu.memory_space<vmem>>, vector<16xi32>,
      %parallel_loop3A_298 = arith.addi %parallel_loop3A_289, %parallel_loop3A_297 : vector<16xi32>
      %parallel_loop3A_299 = arith.constant 9216 : i32
      %parallel_loop3A_300 = arith.addi %parallel_loop3A_299, %parallel_loop3A_217 : i32
      %parallel_loop3A_301 = arith.index_cast %parallel_loop3A_300 : i32 to index
      %parallel_loop3A_302 = tpu.vector_load %arg6[%parallel_loop3A_301] {strides = array<i32>} : memref<16384xi32, #tpu.memory_space<vmem>>, vector<16xi32>,
      tpu.vector_store %arg6[%parallel_loop3A_301], %broadcast_in_dim3A_8 {strides = array<i32>} : memref<16384xi32, #tpu.memory_space<vmem>>, vector<16xi32>,
      %parallel_loop3A_303 = arith.constant 10240 : i32
      %parallel_loop3A_304 = arith.addi %parallel_loop3A_303, %parallel_loop3A_217 : i32
      %parallel_loop3A_305 = arith.index_cast %parallel_loop3A_304 : i32 to index
      %parallel_loop3A_306 = tpu.vector_load %arg6[%parallel_loop3A_305] {strides = array<i32>} : memref<16384xi32, #tpu.memory_space<vmem>>, vector<16xi32>,
      %parallel_loop3A_307 = arith.addi %parallel_loop3A_298, %parallel_loop3A_306 : vector<16xi32>
      %parallel_loop3A_308 = arith.constant 10240 : i32
      %parallel_loop3A_309 = arith.addi %parallel_loop3A_308, %parallel_loop3A_217 : i32
      %parallel_loop3A_310 = arith.index_cast %parallel_loop3A_309 : i32 to index
      %parallel_loop3A_311 = tpu.vector_load %arg6[%parallel_loop3A_310] {strides = array<i32>} : memref<16384xi32, #tpu.memory_space<vmem>>, vector<16xi32>,
      tpu.vector_store %arg6[%parallel_loop3A_310], %broadcast_in_dim3A_8 {strides = array<i32>} : memref<16384xi32, #tpu.memory_space<vmem>>, vector<16xi32>,
      %parallel_loop3A_312 = arith.constant 11264 : i32
      %parallel_loop3A_313 = arith.addi %parallel_loop3A_312, %parallel_loop3A_217 : i32
      %parallel_loop3A_314 = arith.index_cast %parallel_loop3A_313 : i32 to index
      %parallel_loop3A_315 = tpu.vector_load %arg6[%parallel_loop3A_314] {strides = array<i32>} : memref<16384xi32, #tpu.memory_space<vmem>>, vector<16xi32>,
      %parallel_loop3A_316 = arith.addi %parallel_loop3A_307, %parallel_loop3A_315 : vector<16xi32>
      %parallel_loop3A_317 = arith.constant 11264 : i32
      %parallel_loop3A_318 = arith.addi %parallel_loop3A_317, %parallel_loop3A_217 : i32
      %parallel_loop3A_319 = arith.index_cast %parallel_loop3A_318 : i32 to index
      %parallel_loop3A_320 = tpu.vector_load %arg6[%parallel_loop3A_319] {strides = array<i32>} : memref<16384xi32, #tpu.memory_space<vmem>>, vector<16xi32>,
      tpu.vector_store %arg6[%parallel_loop3A_319], %broadcast_in_dim3A_8 {strides = array<i32>} : memref<16384xi32, #tpu.memory_space<vmem>>, vector<16xi32>,
      %parallel_loop3A_321 = arith.constant 12288 : i32
      %parallel_loop3A_322 = arith.addi %parallel_loop3A_321, %parallel_loop3A_217 : i32
      %parallel_loop3A_323 = arith.index_cast %parallel_loop3A_322 : i32 to index
      %parallel_loop3A_324 = tpu.vector_load %arg6[%parallel_loop3A_323] {strides = array<i32>} : memref<16384xi32, #tpu.memory_space<vmem>>, vector<16xi32>,
      %parallel_loop3A_325 = arith.addi %parallel_loop3A_316, %parallel_loop3A_324 : vector<16xi32>
      %parallel_loop3A_326 = arith.constant 12288 : i32
      %parallel_loop3A_327 = arith.addi %parallel_loop3A_326, %parallel_loop3A_217 : i32
      %parallel_loop3A_328 = arith.index_cast %parallel_loop3A_327 : i32 to index
      %parallel_loop3A_329 = tpu.vector_load %arg6[%parallel_loop3A_328] {strides = array<i32>} : memref<16384xi32, #tpu.memory_space<vmem>>, vector<16xi32>,
      tpu.vector_store %arg6[%parallel_loop3A_328], %broadcast_in_dim3A_8 {strides = array<i32>} : memref<16384xi32, #tpu.memory_space<vmem>>, vector<16xi32>,
      %parallel_loop3A_330 = arith.constant 13312 : i32
      %parallel_loop3A_331 = arith.addi %parallel_loop3A_330, %parallel_loop3A_217 : i32
      %parallel_loop3A_332 = arith.index_cast %parallel_loop3A_331 : i32 to index
      %parallel_loop3A_333 = tpu.vector_load %arg6[%parallel_loop3A_332] {strides = array<i32>} : memref<16384xi32, #tpu.memory_space<vmem>>, vector<16xi32>,
      %parallel_loop3A_334 = arith.addi %parallel_loop3A_325, %parallel_loop3A_333 : vector<16xi32>
      %parallel_loop3A_335 = arith.constant 13312 : i32
      %parallel_loop3A_336 = arith.addi %parallel_loop3A_335, %parallel_loop3A_217 : i32
      %parallel_loop3A_337 = arith.index_cast %parallel_loop3A_336 : i32 to index
      %parallel_loop3A_338 = tpu.vector_load %arg6[%parallel_loop3A_337] {strides = array<i32>} : memref<16384xi32, #tpu.memory_space<vmem>>, vector<16xi32>,
      tpu.vector_store %arg6[%parallel_loop3A_337], %broadcast_in_dim3A_8 {strides = array<i32>} : memref<16384xi32, #tpu.memory_space<vmem>>, vector<16xi32>,
      %parallel_loop3A_339 = arith.constant 14336 : i32
      %parallel_loop3A_340 = arith.addi %parallel_loop3A_339, %parallel_loop3A_217 : i32
      %parallel_loop3A_341 = arith.index_cast %parallel_loop3A_340 : i32 to index
      %parallel_loop3A_342 = tpu.vector_load %arg6[%parallel_loop3A_341] {strides = array<i32>} : memref<16384xi32, #tpu.memory_space<vmem>>, vector<16xi32>,
      %parallel_loop3A_343 = arith.addi %parallel_loop3A_334, %parallel_loop3A_342 : vector<16xi32>
      %parallel_loop3A_344 = arith.constant 14336 : i32
      %parallel_loop3A_345 = arith.addi %parallel_loop3A_344, %parallel_loop3A_217 : i32
      %parallel_loop3A_346 = arith.index_cast %parallel_loop3A_345 : i32 to index
      %parallel_loop3A_347 = tpu.vector_load %arg6[%parallel_loop3A_346] {strides = array<i32>} : memref<16384xi32, #tpu.memory_space<vmem>>, vector<16xi32>,
      tpu.vector_store %arg6[%parallel_loop3A_346], %broadcast_in_dim3A_8 {strides = array<i32>} : memref<16384xi32, #tpu.memory_space<vmem>>, vector<16xi32>,
      %parallel_loop3A_348 = arith.constant 15360 : i32
      %parallel_loop3A_349 = arith.addi %parallel_loop3A_348, %parallel_loop3A_217 : i32
      %parallel_loop3A_350 = arith.index_cast %parallel_loop3A_349 : i32 to index
      %parallel_loop3A_351 = tpu.vector_load %arg6[%parallel_loop3A_350] {strides = array<i32>} : memref<16384xi32, #tpu.memory_space<vmem>>, vector<16xi32>,
      %parallel_loop3A_352 = arith.addi %parallel_loop3A_343, %parallel_loop3A_351 : vector<16xi32>
      %parallel_loop3A_353 = arith.constant 15360 : i32
      %parallel_loop3A_354 = arith.addi %parallel_loop3A_353, %parallel_loop3A_217 : i32
      %parallel_loop3A_355 = arith.index_cast %parallel_loop3A_354 : i32 to index
      %parallel_loop3A_356 = tpu.vector_load %arg6[%parallel_loop3A_355] {strides = array<i32>} : memref<16384xi32, #tpu.memory_space<vmem>>, vector<16xi32>,
      tpu.vector_store %arg6[%parallel_loop3A_355], %broadcast_in_dim3A_8 {strides = array<i32>} : memref<16384xi32, #tpu.memory_space<vmem>>, vector<16xi32>,
      %parallel_loop3A_357 = arith.cmpi sgt, %parallel_loop3A_352, %parallel_loop3A_214 : vector<16xi32>
      %parallel_loop3A_358 = arith.select %parallel_loop3A_357, %parallel_loop3A_352, %parallel_loop3A_214 : vector<16xi1>, vector<16xi32>
      %parallel_loop3A_359 = vector.broadcast %parallel_loop3A_217 : i32 to vector<16xi32>
      %parallel_loop3A_360 = arith.addi %parallel_loop3A_359, %iota3A : vector<16xi32>
      %parallel_loop3A_361 = arith.select %parallel_loop3A_357, %parallel_loop3A_360, %parallel_loop3A_215 : vector<16xi1>, vector<16xi32>
      scf.yield %parallel_loop3A_358, %parallel_loop3A_361 : vector<16xi32>, vector<16xi32>
    } {sc.loop_unroll_factor = 1 : i64, sc.parallel_access}
    %reduce_max3A_144 = arith.constant true
    %reduce_max3A_145 = vector.broadcast %reduce_max3A_144 : i1 to vector<16xi1>
    %reduce_max3A_146 = arith.constant -2147483648 : i32
    %reduce_max3A_147 = vector.broadcast %reduce_max3A_146 : i32 to vector<16xi32>
    %reduce_max3A_148 = arith.xori %parallel_loop3A_143#0, %reduce_max3A_147 : vector<16xi32>
    %reduce_max3A_149 = tpu.scan <max>, %reduce_max3A_148 masked %reduce_max3A_145 : vector<16xi32>, vector<16xi1> -> vector<16xi32>
    %reduce_max3A_150 = arith.xori %reduce_max3A_149, %reduce_max3A_147 : vector<16xi32>
    %reduce_max3A_151 = vector.extract %reduce_max3A_150[15] : i32 from vector<16xi32>
    %eq3A_152 = vector.broadcast %reduce_max3A_151 : i32 to vector<16xi32>
    %eq3A_153 = arith.cmpi eq, %parallel_loop3A_143#0, %eq3A_152 : vector<16xi32>
    %broadcast_in_dim3A_154 = arith.constant 1073741824 : i32
    %broadcast_in_dim3A_155 = vector.broadcast %broadcast_in_dim3A_154 : i32 to vector<16xi32>
    %select_n3A_156 = arith.select %eq3A_153, %parallel_loop3A_143#1, %broadcast_in_dim3A_155 : vector<16xi1>, vector<16xi32>
    %reduce_min3A_157 = arith.constant true
    %reduce_min3A_158 = vector.broadcast %reduce_min3A_157 : i1 to vector<16xi1>
    %reduce_min3A_159 = arith.constant -2147483648 : i32
    %reduce_min3A_160 = vector.broadcast %reduce_min3A_159 : i32 to vector<16xi32>
    %reduce_min3A_161 = arith.xori %select_n3A_156, %reduce_min3A_160 : vector<16xi32>
    %reduce_min3A_162 = tpu.scan <min>, %reduce_min3A_161 masked %reduce_min3A_158 : vector<16xi32>, vector<16xi1> -> vector<16xi32>
    %reduce_min3A_163 = arith.xori %reduce_min3A_162, %reduce_min3A_160 : vector<16xi32>
    %reduce_min3A_164 = vector.extract %reduce_min3A_163[15] : i32 from vector<16xi32>
    %parallel_loop3A_165 = arith.constant 0 : i32
    %parallel_loop3A_166 = arith.constant 1008 : i32
    %parallel_loop3A_167 = arith.constant 16 : i32
    scf.for %parallel_loop3A_213 = %parallel_loop3A_165 to %parallel_loop3A_166 step %parallel_loop3A_167  : i32 {
      %parallel_loop3A_214 = vector.broadcast %parallel_loop3A_213 : i32 to vector<16xi32>
      %parallel_loop3A_215 = arith.addi %iota3A, %parallel_loop3A_214 : vector<16xi32>
      %parallel_loop3A_216 = vector.broadcast %reduce_min3A_164 : i32 to vector<16xi32>
      %parallel_loop3A_217 = arith.cmpi eq, %parallel_loop3A_215, %parallel_loop3A_216 : vector<16xi32>
      %parallel_loop3A_218 = arith.constant 1.000000e+00 : f32
      %parallel_loop3A_219 = arith.constant 0.000000e+00 : f32
      %parallel_loop3A_220 = vector.broadcast %parallel_loop3A_218 : f32 to vector<16xf32>
      %parallel_loop3A_221 = vector.broadcast %parallel_loop3A_219 : f32 to vector<16xf32>
      %parallel_loop3A_222 = arith.select %parallel_loop3A_217, %parallel_loop3A_220, %parallel_loop3A_221 : vector<16xi1>, vector<16xf32>
      %parallel_loop3A_223 = arith.index_cast %parallel_loop3A_213 : i32 to index
      %parallel_loop3A_224 = tpu.vector_load %arg7[%parallel_loop3A_223] {strides = array<i32>} : memref<1008xf32, #tpu.memory_space<vmem>>, vector<16xf32>,
      tpu.vector_store %arg7[%parallel_loop3A_223], %parallel_loop3A_222 {strides = array<i32>} : memref<1008xf32, #tpu.memory_space<vmem>>, vector<16xf32>,
    } {sc.loop_unroll_factor = 4 : i64, sc.parallel_access}
    %add3A_168 = arith.constant 2 : i32
    %add3A_169 = arith.addi %mul3A_2, %add3A_168 : i32
    "tpu.region"() ({
      %run_scoped3A = tpu.sem_alloc : memref<!tpu.dma_semaphore, #tpu.memory_space<semaphore_mem>>
      %dma_start3A_213 = arith.constant 0 : i32
      %dma_start3A_214 = tpu.memref_slice %arg3[%add3A_169, %dma_start3A_213] : memref<128x1008xf32, #tpu.memory_space<hbm>> -> memref<1x1008xf32, #tpu.memory_space<hbm>>
      %dma_start3A_215 = tpu.memref_squeeze %dma_start3A_214 : memref<1x1008xf32, #tpu.memory_space<hbm>> -> memref<1008xf32, #tpu.memory_space<hbm>>
      %dma_start3A_216 = arith.constant 0 : i32
      %dma_start3A_217 = tpu.memref_slice %arg3[%add3A_169, %dma_start3A_216] : memref<128x1008xf32, #tpu.memory_space<hbm>> -> memref<1x1008xf32, #tpu.memory_space<hbm>>
      %dma_start3A_218 = tpu.memref_squeeze %dma_start3A_217 : memref<1x1008xf32, #tpu.memory_space<hbm>> -> memref<1008xf32, #tpu.memory_space<hbm>>
      tpu.enqueue_dma source(%arg7 : memref<1008xf32, #tpu.memory_space<vmem>>) target(%dma_start3A_218 : memref<1008xf32, #tpu.memory_space<hbm>>) target_semaphore(%run_scoped3A : memref<!tpu.dma_semaphore, #tpu.memory_space<semaphore_mem>>)
      %dma_wait3A_219 = arith.constant 0 : i32
      %dma_wait3A_220 = tpu.memref_slice %arg3[%add3A_169, %dma_wait3A_219] : memref<128x1008xf32, #tpu.memory_space<hbm>> -> memref<1x1008xf32, #tpu.memory_space<hbm>>
      %dma_wait3A_221 = tpu.memref_squeeze %dma_wait3A_220 : memref<1x1008xf32, #tpu.memory_space<hbm>> -> memref<1008xf32, #tpu.memory_space<hbm>>
      %dma_wait3A_222 = arith.constant 0 : i32
      %dma_wait3A_223 = tpu.memref_slice %arg3[%add3A_169, %dma_wait3A_222] : memref<128x1008xf32, #tpu.memory_space<hbm>> -> memref<1x1008xf32, #tpu.memory_space<hbm>>
      %dma_wait3A_224 = tpu.memref_squeeze %dma_wait3A_223 : memref<1x1008xf32, #tpu.memory_space<hbm>> -> memref<1008xf32, #tpu.memory_space<hbm>>
      tpu.wait_dma2 semaphore(%run_scoped3A : memref<!tpu.dma_semaphore, #tpu.memory_space<semaphore_mem>>) src(%arg7 : memref<1008xf32, #tpu.memory_space<vmem>>) dst(%dma_wait3A_224 : memref<1008xf32, #tpu.memory_space<hbm>>)
      tpu.yield
    }) : () -> ()
    %dma_wait3A_170 = arith.constant 0 : i32
    %dma_wait3A_171 = tpu.memref_slice %arg2[%add3A_126, %dma_wait3A_170] : memref<128x32768xi32, #tpu.memory_space<hbm>> -> memref<1x32768xi32, #tpu.memory_space<hbm>>
    %dma_wait3A_172 = tpu.memref_squeeze %dma_wait3A_171 : memref<1x32768xi32, #tpu.memory_space<hbm>> -> memref<32768xi32, #tpu.memory_space<hbm>>
    %dma_wait3A_173 = arith.constant 0 : i32
    %dma_wait3A_174 = tpu.memref_slice %arg2[%add3A_126, %dma_wait3A_173] : memref<128x32768xi32, #tpu.memory_space<hbm>> -> memref<1x32768xi32, #tpu.memory_space<hbm>>
    %dma_wait3A_175 = tpu.memref_squeeze %dma_wait3A_174 : memref<1x32768xi32, #tpu.memory_space<hbm>> -> memref<32768xi32, #tpu.memory_space<hbm>>
    tpu.wait_dma2 semaphore(%arg9 : memref<!tpu.dma_semaphore, #tpu.memory_space<semaphore_mem>>) src(%dma_wait3A_175 : memref<32768xi32, #tpu.memory_space<hbm>>) dst(%arg5 : memref<32768xi32, #tpu.memory_space<vmem>>)
    %parallel_loop3A_176 = arith.constant 0 : i32
    %parallel_loop3A_177 = arith.constant 32768 : i32
    %parallel_loop3A_178 = arith.constant 16 : i32
    scf.for %parallel_loop3A_213 = %parallel_loop3A_176 to %parallel_loop3A_177 step %parallel_loop3A_178  : i32 {
      %parallel_loop3A_214 = arith.constant 0 : i32
      %parallel_loop3A_215 = arith.addi %parallel_loop3A_213, %parallel_loop3A_214 : i32
      %parallel_loop3A_216 = arith.index_cast %parallel_loop3A_215 : i32 to index
      %parallel_loop3A_217 = tpu.vector_load %arg5[%parallel_loop3A_216] {strides = array<i32>} : memref<32768xi32, #tpu.memory_space<vmem>>, vector<16xi32>,
      %parallel_loop3A_218 = arith.addi %parallel_loop3A_217, %mul3A_5 : vector<16xi32>
      %parallel_loop3A_219 = arith.constant 0 : i32
      %parallel_loop3A_220 = vector.broadcast %parallel_loop3A_219 : i32 to vector<16xi32>
      %parallel_loop3A_221 = arith.addi %parallel_loop3A_218, %parallel_loop3A_220 : vector<16xi32>
      tpu.vector_store_idx %arg6[%parallel_loop3A_221], %broadcast_in_dim3A_6 {add = true} : memref<16384xi32, #tpu.memory_space<vmem>>[vector<16xi32>], vector<16xi32>,
    } {sc.loop_unroll_factor = 8 : i64, sc.parallel_access}
    %broadcast_in_dim3A_179 = arith.constant -1 : i32
    %broadcast_in_dim3A_180 = vector.broadcast %broadcast_in_dim3A_179 : i32 to vector<16xi32>
    %broadcast_in_dim3A_181 = arith.constant 0 : i32
    %broadcast_in_dim3A_182 = vector.broadcast %broadcast_in_dim3A_181 : i32 to vector<16xi32>
    %parallel_loop3A_183 = arith.constant 0 : i32
    %parallel_loop3A_184 = arith.constant 63 : i32
    %parallel_loop3A_185 = arith.constant 1 : i32
    %parallel_loop3A_186:2 = scf.for %parallel_loop3A_213 = %parallel_loop3A_183 to %parallel_loop3A_184 step %parallel_loop3A_185 iter_args(%parallel_loop3A_214 = %broadcast_in_dim3A_180, %parallel_loop3A_215 = %broadcast_in_dim3A_182) -> (vector<16xi32>, vector<16xi32>)  : i32 {
      %parallel_loop3A_216 = arith.constant 16 : i32
      %parallel_loop3A_217 = arith.muli %parallel_loop3A_213, %parallel_loop3A_216 : i32
      %parallel_loop3A_218 = arith.index_cast %parallel_loop3A_217 : i32 to index
      %parallel_loop3A_219 = tpu.vector_load %arg6[%parallel_loop3A_218] {strides = array<i32>} : memref<16384xi32, #tpu.memory_space<vmem>>, vector<16xi32>,
      %parallel_loop3A_220 = arith.constant 1024 : i32
      %parallel_loop3A_221 = arith.addi %parallel_loop3A_220, %parallel_loop3A_217 : i32
      %parallel_loop3A_222 = arith.index_cast %parallel_loop3A_221 : i32 to index
      %parallel_loop3A_223 = tpu.vector_load %arg6[%parallel_loop3A_222] {strides = array<i32>} : memref<16384xi32, #tpu.memory_space<vmem>>, vector<16xi32>,
      %parallel_loop3A_224 = arith.addi %parallel_loop3A_219, %parallel_loop3A_223 : vector<16xi32>
      %parallel_loop3A_225 = arith.constant 2048 : i32
      %parallel_loop3A_226 = arith.addi %parallel_loop3A_225, %parallel_loop3A_217 : i32
      %parallel_loop3A_227 = arith.index_cast %parallel_loop3A_226 : i32 to index
      %parallel_loop3A_228 = tpu.vector_load %arg6[%parallel_loop3A_227] {strides = array<i32>} : memref<16384xi32, #tpu.memory_space<vmem>>, vector<16xi32>,
      %parallel_loop3A_229 = arith.addi %parallel_loop3A_224, %parallel_loop3A_228 : vector<16xi32>
      %parallel_loop3A_230 = arith.constant 3072 : i32
      %parallel_loop3A_231 = arith.addi %parallel_loop3A_230, %parallel_loop3A_217 : i32
      %parallel_loop3A_232 = arith.index_cast %parallel_loop3A_231 : i32 to index
      %parallel_loop3A_233 = tpu.vector_load %arg6[%parallel_loop3A_232] {strides = array<i32>} : memref<16384xi32, #tpu.memory_space<vmem>>, vector<16xi32>,
      %parallel_loop3A_234 = arith.addi %parallel_loop3A_229, %parallel_loop3A_233 : vector<16xi32>
      %parallel_loop3A_235 = arith.constant 4096 : i32
      %parallel_loop3A_236 = arith.addi %parallel_loop3A_235, %parallel_loop3A_217 : i32
      %parallel_loop3A_237 = arith.index_cast %parallel_loop3A_236 : i32 to index
      %parallel_loop3A_238 = tpu.vector_load %arg6[%parallel_loop3A_237] {strides = array<i32>} : memref<16384xi32, #tpu.memory_space<vmem>>, vector<16xi32>,
      %parallel_loop3A_239 = arith.addi %parallel_loop3A_234, %parallel_loop3A_238 : vector<16xi32>
      %parallel_loop3A_240 = arith.constant 5120 : i32
      %parallel_loop3A_241 = arith.addi %parallel_loop3A_240, %parallel_loop3A_217 : i32
      %parallel_loop3A_242 = arith.index_cast %parallel_loop3A_241 : i32 to index
      %parallel_loop3A_243 = tpu.vector_load %arg6[%parallel_loop3A_242] {strides = array<i32>} : memref<16384xi32, #tpu.memory_space<vmem>>, vector<16xi32>,
      %parallel_loop3A_244 = arith.addi %parallel_loop3A_239, %parallel_loop3A_243 : vector<16xi32>
      %parallel_loop3A_245 = arith.constant 6144 : i32
      %parallel_loop3A_246 = arith.addi %parallel_loop3A_245, %parallel_loop3A_217 : i32
      %parallel_loop3A_247 = arith.index_cast %parallel_loop3A_246 : i32 to index
      %parallel_loop3A_248 = tpu.vector_load %arg6[%parallel_loop3A_247] {strides = array<i32>} : memref<16384xi32, #tpu.memory_space<vmem>>, vector<16xi32>,
      %parallel_loop3A_249 = arith.addi %parallel_loop3A_244, %parallel_loop3A_248 : vector<16xi32>
      %parallel_loop3A_250 = arith.constant 7168 : i32
      %parallel_loop3A_251 = arith.addi %parallel_loop3A_250, %parallel_loop3A_217 : i32
      %parallel_loop3A_252 = arith.index_cast %parallel_loop3A_251 : i32 to index
      %parallel_loop3A_253 = tpu.vector_load %arg6[%parallel_loop3A_252] {strides = array<i32>} : memref<16384xi32, #tpu.memory_space<vmem>>, vector<16xi32>,
      %parallel_loop3A_254 = arith.addi %parallel_loop3A_249, %parallel_loop3A_253 : vector<16xi32>
      %parallel_loop3A_255 = arith.constant 8192 : i32
      %parallel_loop3A_256 = arith.addi %parallel_loop3A_255, %parallel_loop3A_217 : i32
      %parallel_loop3A_257 = arith.index_cast %parallel_loop3A_256 : i32 to index
      %parallel_loop3A_258 = tpu.vector_load %arg6[%parallel_loop3A_257] {strides = array<i32>} : memref<16384xi32, #tpu.memory_space<vmem>>, vector<16xi32>,
      %parallel_loop3A_259 = arith.addi %parallel_loop3A_254, %parallel_loop3A_258 : vector<16xi32>
      %parallel_loop3A_260 = arith.constant 9216 : i32
      %parallel_loop3A_261 = arith.addi %parallel_loop3A_260, %parallel_loop3A_217 : i32
      %parallel_loop3A_262 = arith.index_cast %parallel_loop3A_261 : i32 to index
      %parallel_loop3A_263 = tpu.vector_load %arg6[%parallel_loop3A_262] {strides = array<i32>} : memref<16384xi32, #tpu.memory_space<vmem>>, vector<16xi32>,
      %parallel_loop3A_264 = arith.addi %parallel_loop3A_259, %parallel_loop3A_263 : vector<16xi32>
      %parallel_loop3A_265 = arith.constant 10240 : i32
      %parallel_loop3A_266 = arith.addi %parallel_loop3A_265, %parallel_loop3A_217 : i32
      %parallel_loop3A_267 = arith.index_cast %parallel_loop3A_266 : i32 to index
      %parallel_loop3A_268 = tpu.vector_load %arg6[%parallel_loop3A_267] {strides = array<i32>} : memref<16384xi32, #tpu.memory_space<vmem>>, vector<16xi32>,
      %parallel_loop3A_269 = arith.addi %parallel_loop3A_264, %parallel_loop3A_268 : vector<16xi32>
      %parallel_loop3A_270 = arith.constant 11264 : i32
      %parallel_loop3A_271 = arith.addi %parallel_loop3A_270, %parallel_loop3A_217 : i32
      %parallel_loop3A_272 = arith.index_cast %parallel_loop3A_271 : i32 to index
      %parallel_loop3A_273 = tpu.vector_load %arg6[%parallel_loop3A_272] {strides = array<i32>} : memref<16384xi32, #tpu.memory_space<vmem>>, vector<16xi32>,
      %parallel_loop3A_274 = arith.addi %parallel_loop3A_269, %parallel_loop3A_273 : vector<16xi32>
      %parallel_loop3A_275 = arith.constant 12288 : i32
      %parallel_loop3A_276 = arith.addi %parallel_loop3A_275, %parallel_loop3A_217 : i32
      %parallel_loop3A_277 = arith.index_cast %parallel_loop3A_276 : i32 to index
      %parallel_loop3A_278 = tpu.vector_load %arg6[%parallel_loop3A_277] {strides = array<i32>} : memref<16384xi32, #tpu.memory_space<vmem>>, vector<16xi32>,
      %parallel_loop3A_279 = arith.addi %parallel_loop3A_274, %parallel_loop3A_278 : vector<16xi32>
      %parallel_loop3A_280 = arith.constant 13312 : i32
      %parallel_loop3A_281 = arith.addi %parallel_loop3A_280, %parallel_loop3A_217 : i32
      %parallel_loop3A_282 = arith.index_cast %parallel_loop3A_281 : i32 to index
      %parallel_loop3A_283 = tpu.vector_load %arg6[%parallel_loop3A_282] {strides = array<i32>} : memref<16384xi32, #tpu.memory_space<vmem>>, vector<16xi32>,
      %parallel_loop3A_284 = arith.addi %parallel_loop3A_279, %parallel_loop3A_283 : vector<16xi32>
      %parallel_loop3A_285 = arith.constant 14336 : i32
      %parallel_loop3A_286 = arith.addi %parallel_loop3A_285, %parallel_loop3A_217 : i32
      %parallel_loop3A_287 = arith.index_cast %parallel_loop3A_286 : i32 to index
      %parallel_loop3A_288 = tpu.vector_load %arg6[%parallel_loop3A_287] {strides = array<i32>} : memref<16384xi32, #tpu.memory_space<vmem>>, vector<16xi32>,
      %parallel_loop3A_289 = arith.addi %parallel_loop3A_284, %parallel_loop3A_288 : vector<16xi32>
      %parallel_loop3A_290 = arith.constant 15360 : i32
      %parallel_loop3A_291 = arith.addi %parallel_loop3A_290, %parallel_loop3A_217 : i32
      %parallel_loop3A_292 = arith.index_cast %parallel_loop3A_291 : i32 to index
      %parallel_loop3A_293 = tpu.vector_load %arg6[%parallel_loop3A_292] {strides = array<i32>} : memref<16384xi32, #tpu.memory_space<vmem>>, vector<16xi32>,
      %parallel_loop3A_294 = arith.addi %parallel_loop3A_289, %parallel_loop3A_293 : vector<16xi32>
      %parallel_loop3A_295 = arith.cmpi sgt, %parallel_loop3A_294, %parallel_loop3A_214 : vector<16xi32>
      %parallel_loop3A_296 = arith.select %parallel_loop3A_295, %parallel_loop3A_294, %parallel_loop3A_214 : vector<16xi1>, vector<16xi32>
      %parallel_loop3A_297 = vector.broadcast %parallel_loop3A_217 : i32 to vector<16xi32>
      %parallel_loop3A_298 = arith.addi %parallel_loop3A_297, %iota3A : vector<16xi32>
      %parallel_loop3A_299 = arith.select %parallel_loop3A_295, %parallel_loop3A_298, %parallel_loop3A_215 : vector<16xi1>, vector<16xi32>
      scf.yield %parallel_loop3A_296, %parallel_loop3A_299 : vector<16xi32>, vector<16xi32>
    } {sc.loop_unroll_factor = 1 : i64, sc.parallel_access}
    %reduce_max3A_187 = arith.constant true
    %reduce_max3A_188 = vector.broadcast %reduce_max3A_187 : i1 to vector<16xi1>
    %reduce_max3A_189 = arith.constant -2147483648 : i32
    %reduce_max3A_190 = vector.broadcast %reduce_max3A_189 : i32 to vector<16xi32>
    %reduce_max3A_191 = arith.xori %parallel_loop3A_186#0, %reduce_max3A_190 : vector<16xi32>
    %reduce_max3A_192 = tpu.scan <max>, %reduce_max3A_191 masked %reduce_max3A_188 : vector<16xi32>, vector<16xi1> -> vector<16xi32>
    %reduce_max3A_193 = arith.xori %reduce_max3A_192, %reduce_max3A_190 : vector<16xi32>
    %reduce_max3A_194 = vector.extract %reduce_max3A_193[15] : i32 from vector<16xi32>
    %eq3A_195 = vector.broadcast %reduce_max3A_194 : i32 to vector<16xi32>
    %eq3A_196 = arith.cmpi eq, %parallel_loop3A_186#0, %eq3A_195 : vector<16xi32>
    %broadcast_in_dim3A_197 = arith.constant 1073741824 : i32
    %broadcast_in_dim3A_198 = vector.broadcast %broadcast_in_dim3A_197 : i32 to vector<16xi32>
    %select_n3A_199 = arith.select %eq3A_196, %parallel_loop3A_186#1, %broadcast_in_dim3A_198 : vector<16xi1>, vector<16xi32>
    %reduce_min3A_200 = arith.constant true
    %reduce_min3A_201 = vector.broadcast %reduce_min3A_200 : i1 to vector<16xi1>
    %reduce_min3A_202 = arith.constant -2147483648 : i32
    %reduce_min3A_203 = vector.broadcast %reduce_min3A_202 : i32 to vector<16xi32>
    %reduce_min3A_204 = arith.xori %select_n3A_199, %reduce_min3A_203 : vector<16xi32>
    %reduce_min3A_205 = tpu.scan <min>, %reduce_min3A_204 masked %reduce_min3A_201 : vector<16xi32>, vector<16xi1> -> vector<16xi32>
    %reduce_min3A_206 = arith.xori %reduce_min3A_205, %reduce_min3A_203 : vector<16xi32>
    %reduce_min3A_207 = vector.extract %reduce_min3A_206[15] : i32 from vector<16xi32>
    %parallel_loop3A_208 = arith.constant 0 : i32
    %parallel_loop3A_209 = arith.constant 1008 : i32
    %parallel_loop3A_210 = arith.constant 16 : i32
    scf.for %parallel_loop3A_213 = %parallel_loop3A_208 to %parallel_loop3A_209 step %parallel_loop3A_210  : i32 {
      %parallel_loop3A_214 = vector.broadcast %parallel_loop3A_213 : i32 to vector<16xi32>
      %parallel_loop3A_215 = arith.addi %iota3A, %parallel_loop3A_214 : vector<16xi32>
      %parallel_loop3A_216 = vector.broadcast %reduce_min3A_207 : i32 to vector<16xi32>
      %parallel_loop3A_217 = arith.cmpi eq, %parallel_loop3A_215, %parallel_loop3A_216 : vector<16xi32>
      %parallel_loop3A_218 = arith.constant 1.000000e+00 : f32
      %parallel_loop3A_219 = arith.constant 0.000000e+00 : f32
      %parallel_loop3A_220 = vector.broadcast %parallel_loop3A_218 : f32 to vector<16xf32>
      %parallel_loop3A_221 = vector.broadcast %parallel_loop3A_219 : f32 to vector<16xf32>
      %parallel_loop3A_222 = arith.select %parallel_loop3A_217, %parallel_loop3A_220, %parallel_loop3A_221 : vector<16xi1>, vector<16xf32>
      %parallel_loop3A_223 = arith.index_cast %parallel_loop3A_213 : i32 to index
      %parallel_loop3A_224 = tpu.vector_load %arg7[%parallel_loop3A_223] {strides = array<i32>} : memref<1008xf32, #tpu.memory_space<vmem>>, vector<16xf32>,
      tpu.vector_store %arg7[%parallel_loop3A_223], %parallel_loop3A_222 {strides = array<i32>} : memref<1008xf32, #tpu.memory_space<vmem>>, vector<16xf32>,
    } {sc.loop_unroll_factor = 4 : i64, sc.parallel_access}
    %add3A_211 = arith.constant 3 : i32
    %add3A_212 = arith.addi %mul3A_2, %add3A_211 : i32
    "tpu.region"() ({
      %run_scoped3A = tpu.sem_alloc : memref<!tpu.dma_semaphore, #tpu.memory_space<semaphore_mem>>
      %dma_start3A_213 = arith.constant 0 : i32
      %dma_start3A_214 = tpu.memref_slice %arg3[%add3A_212, %dma_start3A_213] : memref<128x1008xf32, #tpu.memory_space<hbm>> -> memref<1x1008xf32, #tpu.memory_space<hbm>>
      %dma_start3A_215 = tpu.memref_squeeze %dma_start3A_214 : memref<1x1008xf32, #tpu.memory_space<hbm>> -> memref<1008xf32, #tpu.memory_space<hbm>>
      %dma_start3A_216 = arith.constant 0 : i32
      %dma_start3A_217 = tpu.memref_slice %arg3[%add3A_212, %dma_start3A_216] : memref<128x1008xf32, #tpu.memory_space<hbm>> -> memref<1x1008xf32, #tpu.memory_space<hbm>>
      %dma_start3A_218 = tpu.memref_squeeze %dma_start3A_217 : memref<1x1008xf32, #tpu.memory_space<hbm>> -> memref<1008xf32, #tpu.memory_space<hbm>>
      tpu.enqueue_dma source(%arg7 : memref<1008xf32, #tpu.memory_space<vmem>>) target(%dma_start3A_218 : memref<1008xf32, #tpu.memory_space<hbm>>) target_semaphore(%run_scoped3A : memref<!tpu.dma_semaphore, #tpu.memory_space<semaphore_mem>>)
      %dma_wait3A_219 = arith.constant 0 : i32
      %dma_wait3A_220 = tpu.memref_slice %arg3[%add3A_212, %dma_wait3A_219] : memref<128x1008xf32, #tpu.memory_space<hbm>> -> memref<1x1008xf32, #tpu.memory_space<hbm>>
      %dma_wait3A_221 = tpu.memref_squeeze %dma_wait3A_220 : memref<1x1008xf32, #tpu.memory_space<hbm>> -> memref<1008xf32, #tpu.memory_space<hbm>>
      %dma_wait3A_222 = arith.constant 0 : i32
      %dma_wait3A_223 = tpu.memref_slice %arg3[%add3A_212, %dma_wait3A_222] : memref<128x1008xf32, #tpu.memory_space<hbm>> -> memref<1x1008xf32, #tpu.memory_space<hbm>>
      %dma_wait3A_224 = tpu.memref_squeeze %dma_wait3A_223 : memref<1x1008xf32, #tpu.memory_space<hbm>> -> memref<1008xf32, #tpu.memory_space<hbm>>
      tpu.wait_dma2 semaphore(%run_scoped3A : memref<!tpu.dma_semaphore, #tpu.memory_space<semaphore_mem>>) src(%arg7 : memref<1008xf32, #tpu.memory_space<vmem>>) dst(%dma_wait3A_224 : memref<1008xf32, #tpu.memory_space<hbm>>)
      tpu.yield
    }) : () -> ()
    return
  }
}

</mosaic_0001>

<sc_bundles>
// kernel: kernel.3.cloned.1.call-start
scs
__scs_entry_jumppad:
0x0: {  	(pc) =	sbr.rel $0x88, $3  }
0x1: {  	(tag) =	ssettag $0x0;
	lr =	simm.s32 $0x1  }
0x2: {  	[smem:$0x3FA0] =	sst lr;
	_ =	strace $0xD0000000  }
0x3: {  	_ = 	snop  }
0x4: {  	_ = 	snop  }
0x5: {  	_ = 	snop  }
0x6: {  	_ = 	snop  }
0x7: {  	_ = 	snop  }
__scs_overlays_trampoline_lowered:
0x8: {  	[smem:$0x3FAF] =	sst s0  }
0x9: {  	[smem:$0x3FB0] =	sst s1  }
0xa: {  	[smem:$0x3FB1] =	sst s2  }
0xb: {  	[smem:$0x3FB2] =	sst s3  }
0xc: {  	[smem:$0x3FB3] =	sst s4  }
0xd: {  	[smem:$0x3FB4] =	sst s5  }
0xe: {  	[smem:$0x3FB5] =	sst s6  }
0xf: {  	[smem:$0x3FB6] =	sst s7  }
0x10: {  	[smem:$0x3FB7] =	sst s8  }
0x11: {  	[smem:$0x3FB8] =	sst s9;
	s0 =	simm.s32 @!p0 $0x0  }
0x12: {  	s1 =	sld [smem:$0x3F9E];
	s0 =	simm.s32 @p0 $0x1  }
0x13: {  	[smem:$0x3FB9] =	sst s0;
	s0 =	simm.s32 @!p1 $0x0  }
0x14: {  	s2 =	sld [smem:$0x3F9D];
	s0 =	simm.s32 @p1 $0x1  }
0x15: {  	[smem:$0x3FBA] =	sst s0;
	s0 =	simm.s32 @!p2 $0x0  }
0x16: {  	s3 =	sld [smem:$0x3FDB];
	s0 =	simm.s32 @p2 $0x1  }
0x17: {  	s4 =	simm.s32 $0x1BF5;
	[smem:$0x3FBC] =	sst s0  }
0x18: {  	s0 =	sld [smem:$0x3F9F];
	_ =	swait.ge [sflag:s4], $0x0  }
0x19: {  	s7 =	sld [smem:$0x3FA0]  }
0x1a: {  	s8 =	sadd.s32 $0xFFFFE003, lr  }
0x1b: {  	s9 =	sadd.s32 $0xFFFFFEF7, lr;
	s5 =	simm.s32 $0xFFFFFFFF;
	p2 =	slt.u32 s8, $0xFFFFF086  }
0x1c: {  	p1 =	slt.u32 s9, $0xF7A;
	s5 =	simm.s32 @!p2 $0x0  }
0x1d: {  	s5 =	simm.s32 @p1 $0x1;
	p0 =	seq.s32 s7, s2  }
0x1e: {  	s7 =	smul.u32 @!p0 $0xF7A, s2;
	p2 =	seq.s32 @!p0 s5, $0x0  }
0x1f: {  	s9 =	smul.u32 $0xF7A, s1;
	s8 =	simm.s32 @!p0 $0x1BF5;
	p2 =	por !p2, p0  }
0x20: {  	[sflag:s8] =	ssyncset.s32 @!p0 $0xFFFFF086;
	s6 =	sadd.s32 @!p0 s3, s7;
	s7 =	simm.s32 @!p0 $0x108  }
0x21: {  	s3 =	sadd.s32 s3, s9;
	s6 =	sadd.s32 @!p0 $0x88, s6;
	s7 =	simm.s32 @p2 $0x1082  }
0x22: {  	[simem:s7], [sflag:s8] =	dma.local @!p0 [hbm:s6], $0xF7A  }
0x23: {  	s9 =	sor.u32 $0xD0000000, s2;
	s6 =	simm.s32 $0x108;
	_ =	swait.ge @!p0 [sflag:s8], $0x0  }
0x24: {  	s3 =	sadd.s32 $0x88, s3;
	s6 =	simm.s32 @!p1 $0x1082;
	[sflag:s4] =	ssyncset.s32 $0xFFFFF086  }
0x25: {  	[simem:s6], [sflag:s4] =	dma.local [hbm:s3], $0xF7A  }
0x26: {  	[smem:$0x3FA0] =	sst s1;
	(tag) =	ssettag s2;
	_ =	strace s9  }
0x27: {  	s1 =	sld [smem:$0x3FB0]  }
0x28: {  	s2 =	sld [smem:$0x3FB1]  }
0x29: {  	s4 =	sld [smem:$0x3FB3]  }
0x2a: {  	p0 =	seq.s32 s5, $0x0;
	s5 =	sld [smem:$0x3FB4]  }
0x2b: {  	s6 =	sld [smem:$0x3FB5]  }
0x2c: {  	s7 =	sld [smem:$0x3FB6]  }
0x2d: {  	s3 =	simm.s32 $0x108;
	s8 =	sld [smem:$0x3FB7]  }
0x2e: {  	s3 =	simm.s32 @!p0 $0x1082;
	s9 =	sld [smem:$0x3FB8]  }
0x2f: {  	lr =	sadd.s32 s0, s3;
	s0 =	sld [smem:$0x3FAF]  }
0x30: {  	s3 =	sld [smem:$0x3FB2]  }
0x31: {  	[smem:$0x3FBB] =	sst s10  }
0x32: {  	s10 =	sld [smem:$0x3FB9];
	_ =	sdelay $0x3  }
0x33: {  	p0 =	seq.s32 s10, $0x1;
	s10 =	sld [smem:$0x3FBB];
	_ =	sdelay $0x3  }
0x34: {  	[smem:$0x3FBB] =	sst s10  }
0x35: {  	s10 =	sld [smem:$0x3FBA];
	_ =	sdelay $0x3  }
0x36: {  	p1 =	seq.s32 s10, $0x1;
	s10 =	sld [smem:$0x3FBB];
	_ =	sdelay $0x3  }
0x37: {  	[smem:$0x3FBB] =	sst s10  }
0x38: {  	s10 =	sld [smem:$0x3FBC]  }
0x39: {  	_ = 	snop;
	(pc) =	sbr.ind lr, $3  }
0x3a: {  	_ = 	snop  }
0x3b: {  	_ = 	snop  }
0x3c: {  	p2 =	seq.s32 s10, $0x1;
	s10 =	sld [smem:$0x3FBB]  }
0x3d: {  	_ =	shalt  }
0x3e: {  	_ =	shalt  }
0x3f: {  	_ =	shalt  }
0x40: {  	_ =	shalt  }
0x41: {  	_ =	shalt  }
0x42: {  	_ =	shalt  }
0x43: {  	_ =	shalt  }
0x44: {  	_ =	shalt  }
0x45: {  	_ =	shalt  }
0x46: {  	_ =	shalt  }
0x47: {  	_ =	shalt  }
0x48: {  	_ =	shalt  }
0x49: {  	_ =	shalt  }
0x4a: {  	_ =	shalt  }
0x4b: {  	_ =	shalt  }
0x4c: {  	_ =	shalt  }
0x4d: {  	_ =	shalt  }
0x4e: {  	_ =	shalt  }
0x4f: {  	_ =	shalt  }
0x50: {  	_ =	shalt  }
0x51: {  	_ =	shalt  }
0x52: {  	_ =	shalt  }
0x53: {  	_ =	shalt  }
0x54: {  	_ =	shalt  }
0x55: {  	_ =	shalt  }
0x56: {  	_ =	shalt  }
0x57: {  	_ =	shalt  }
0x58: {  	_ =	shalt  }
0x59: {  	_ =	shalt  }
0x5a: {  	_ =	shalt  }
0x5b: {  	_ =	shalt  }
0x5c: {  	_ =	shalt  }
0x5d: {  	_ =	shalt  }
0x5e: {  	_ =	shalt  }
0x5f: {  	_ =	shalt  }
0x60: {  	_ =	shalt  }
0x61: {  	_ =	shalt  }
0x62: {  	_ =	shalt  }
0x63: {  	_ =	shalt  }
0x64: {  	_ =	shalt  }
0x65: {  	_ =	shalt  }
0x66: {  	_ =	shalt  }
0x67: {  	_ =	shalt  }
0x68: {  	_ =	shalt  }
0x69: {  	_ =	shalt  }
0x6a: {  	_ =	shalt  }
0x6b: {  	_ =	shalt  }
0x6c: {  	_ =	shalt  }
0x6d: {  	_ =	shalt  }
0x6e: {  	_ =	shalt  }
0x6f: {  	_ =	shalt  }
0x70: {  	_ =	shalt  }
0x71: {  	_ =	shalt  }
0x72: {  	_ =	shalt  }
0x73: {  	_ =	shalt  }
0x74: {  	_ =	shalt  }
0x75: {  	_ =	shalt  }
0x76: {  	_ =	shalt  }
0x77: {  	_ =	shalt  }
0x78: {  	_ =	shalt  }
0x79: {  	_ =	shalt  }
0x7a: {  	_ =	shalt  }
0x7b: {  	_ =	shalt  }
0x7c: {  	_ =	shalt  }
0x7d: {  	_ =	shalt  }
0x7e: {  	_ =	shalt  }
0x7f: {  	_ =	shalt  }
0x80: {  	_ =	shalt  }
0x81: {  	_ =	shalt  }
0x82: {  	_ =	shalt  }
0x83: {  	_ =	shalt  }
0x84: {  	_ =	shalt  }
0x85: {  	_ =	shalt  }
0x86: {  	_ =	shalt  }
0x87: {  	_ =	shalt  }
.Lfunc_end0:
.L_simem_size_0:
called_computation_lowered:
.L_overlay_start_0:
0x88: {  	s2 =	sld [smem:$0x3FD9]  }
0x89: {  	s3 =	sld [smem:$0x3FFE];
	_ =	sdelay $0x1  }
0x8a: {  	s1 =	srdreg.scid  }
0x8b: {  	s0 =	sand.u32 $0x1, s1  }
0x8c: {  	s17 =	sshll.u32 s0, $0xA;
	s2 =	sadd.s32 s3, s2  }
0x8d: {  	s2 =	sadd.s32 s2, s17  }
0x8e: {  	[smem:$0x3FC7] =	sst s2  }
0x8f: {  	_ = 	snop  }
0x90: {  	s2 =	sld [smem:$0x3FC9];
	(tm) =	ssettm $0x1  }
0x91: {  	s18 =	sld [smem:$0x3FFB];
	_ =	sdelay $0x3  }
0x92: {  	_ =	strace s18  }
0x93: {  	s3 =	sld [smem:$0x3FFC];
	_ =	sdelay $0x3  }
0x94: {  	_ =	strace s3  }
0x95: {  	s3 =	sld [smem:$0x3FFD];
	_ =	sdelay $0x3  }
0x96: {  	_ =	strace s3  }
0x97: {  	_ =	strace $0x8FFFFFFF  }
0x98: {  	s19 =	sld [smem:$0x3FDB];
	_ =	sdelay $0x1  }
0x99: {  	s4 =	simm.s32 $_scs_section_size  }
0x9a: {  	s5 =	simm.s32 $_size__tile_overlayer_lowered;
	s6 =	simm.s32 $_tile_overlayer_lowered  }
0x9b: {  	s22 =	simm.s32 $0x1BFF;
	s21 =	sshll.u32 s6, $0x1;
	s3 =	sadd.s32 s4, s19  }
0x9c: {  	s7 =	simm.s32 $0x0;
	s20 =	sshll.u32 s5, $0x1;
	s5 =	sadd.s32 s21, s3  }
0x9d: {  	[timem:s7], [sflag:s22] =	dma.local [hbm:s5], s20  }
0x9e: {  	_ =	swait.ge [sflag:s22], s20  }
0x9f: {  	s4 =	ssub.s32 $0x0, s20;
	[sflag:s22] =	ssyncset.done $0x0  }
0xa0: {  	[sflag:s22] =	ssyncadd.s32 s4;
	_ =	sdelay $0x1  }
0xa1: {  	s23 =	simm.s32 $0x1B8B  }
0xa2: {  	_ =	swait.ge [sflag:s23], $0x1  }
0xa3: {  	[sflag:s23] =	ssyncset.done $0x0  }
0xa4: {  	s25 =	simm.s32 $0x1B8E;
	s24 =	sld [smem:$0x3FFE];
	[sflag:s23] =	ssyncadd.s32 $0xFFFFFFFF  }
0xa5: {  	s26 =	simm.s32 $execute0_lowered;
	[smem:$0x3FD2] =	sst s25  }
0xa6: {  	s5 =	sshll.u32 s26, $0x1;
	_ =	strace $0x80000046;
	[dreg:$0x1] =	wrdreg $0xFFFFFFFF  }
0xa7: {  	s28 =	simm.s32 $_size_execute0_lowered;
	s3 =	sadd.s32 s3, s5;
	[dreg:$0x0] =	wrdreg $0x0  }
0xa8: {  	s5 =	sshll.u32 s28, $0x1;
	[dreg:$0x2] =	wrdreg s3  }
0xa9: {  	[dreg:$0x3] =	wrdreg s5  }
0xaa: {  	[dreg:$0x4] =	wrdreg $0xC0  }
0xab: {  	_ =	task [dreg:s7], $0x5FFFF  }
0xac: {  	[dreg:$0x1] =	wrdreg $0xFFFFFFFF  }
0xad: {  	[dreg:$0x0] =	wrdreg $0x60  }
0xae: {  	[dreg:$0x2] =	wrdreg s2  }
0xaf: {  	[dreg:$0x3] =	wrdreg s24  }
0xb0: {  	[dreg:$0x4] =	wrdreg $0x9  }
0xb1: {  	_ =	task.clear_ibuf [dreg:s7], $0x5FFFF;
	_ =	strace $0x90000046  }
0xb2: {  	s29 =	simm.s32 $0x9;
	_ =	strace $0x80000048  }
0xb3: {  	_ =	swait.ge [sflag:s29], $0x1  }
0xb4: {  	[sflag:s29] =	ssyncadd.s32 $0xFFFFFFFF  }
0xb5: {  	_ =	strace $0x90000048  }
0xb6: {  	_ =	sfence  }
0xb7: {  	s30 =	sld [smem:$0x0];
	_ =	sdelay $0x2  }
0xb8: {  	s31 =	sshll.u32 s1, $0xD;
	s1 =	sshrl.u32 s1, $0x2  }
0xb9: {  	s3 =	sand.u32 $0x4000, s31;
	s1 =	sadd.s32 s1, s30  }
0xba: {  	s0 =	sor.u32 s3, s0;
	s1 =	sshll.u32 s1, $0x11  }
0xbb: {  	s0 =	sor.u32 s1, s0  }
0xbc: {  	s0 =	sadd.s32 $0x8F2B, s0  }
0xbd: {  	[sflag:s0] =	ssyncadd.remote.s32 $0x1  }
0xbe: {  	_ =	sfence.sel $0xFFFF  }
0xbf: {  	[dreg:$0x0] =	wrdreg $0xFFFFFFFF;
	(pc) =	sbr.abs _section_cstart, $3  }
0xc0: {  	[dreg:$0x1] =	wrdreg $0xFFFFFFFF  }
0xc1: {  	_ =	task.clear_ibuf [dreg:s7], $0x2FFFF;
	_ =	strace $0x9FFFFFFF  }
0xc2: {  	(tm) =	ssettm $0x7FFFFFFF  }
0xc3: {  	_ =	shalt  }
tec
execute0_lowered:
.L_overlay_start_1:
0x0: {  	(tag) =	ssettag $0x1  }
0x1: {  	s8 =	rddreg [dreg:$0x0]  }
0x2: {  	s3 =	rddreg [dreg:$0x1]  }
0x3: {  	s0 =	rddreg [dreg:$0x2]  }
0x4: {  	s4 =	srdreg.scid;
	s2 =	simm.s32 $0x0;
	s1 =	stileid.u32  }
0x5: {  	s15 =	simm.s32 $0x8000;
	s16 =	simm.s32 $0x14000;
	s17 =	simm.s32 $0x3  }
0x6: {  	s18 =	simm.s32 $0x2;
	s19 =	simm.s32 $0x0;
	s4 =	sand.u32 $0x1, s4  }
0x7: {  	[smem:$0x7FF] =	sst s2;
	s6 =	sshll.u32 s1, $0x2;
	s10 =	sadd.s32 $0x400, s3  }
0x8: {  	s23 =	sshll.u32 s1, $0x9;
	s5 =	sshll.u32 s4, $0x6;
	_ =	strace $0x80000047  }
0x9: {  	s4 =	ssub.s32 $0x2, s4;
	s9 =	sand.u32 $0x200, s23;
	s5 =	sor.u32 s6, s5  }
0xa: {  	s24 =	sshrl.u32 s4, $0x1;
	s7 =	sor.u32 $0x80, s9;
	s5 =	sshrl.u32 s5, $0x3  }
0xb: {  	s14 =	sor.u32 $0x100, s9;
	s12 =	ssub.s32 s4, s24;
	s11 =	sshll.u32 s5, $0x12  }
0xc: {  	s13 =	sshll.u32 s5, $0xD;
	s25 =	sor.u32 s9, s11;
	s28 =	sor.u32 s7, s11  }
0xd: {  	s5 =	sor.u32 s9, s13;
	s29 =	sor.u32 s14, s11;
	s7 =	sor.u32 s7, s13  }
0xe: {  	s9 =	sor.u32 $0x180, s9;
	s14 =	sor.u32 s14, s13;
	s26 =	sshrl.u32 s25, $0x3  }
0xf: {  	s4 =	sshrl.u32 s28, $0x3;
	s5 =	sshrl.u32 s5, $0x3;
	s6 =	sshrl.u32 s29, $0x3  }
0x10: {  	s7 =	sshrl.u32 s7, $0x3;
	s11 =	sor.u32 s9, s11;
	s9 =	sor.u32 s9, s13  }
0x11: {  	s30 =	sshrl.u32 s14, $0x3;
	s13 =	simm.s32 $0x400;
	s14 =	simm.s32 $0x1  }
0x12: {  	s3 =	sadd.s32 s8, s26;
	s4 =	sadd.s32 s8, s4;
	s5 =	sadd.s32 s10, s5  }
0x13: {  	s6 =	sadd.s32 s8, s6;
	s7 =	sadd.s32 s10, s7;
	s11 =	sshrl.u32 s11, $0x3  }
0x14: {  	v0 =	vimm.s32 $0x0;
	v1 =	vlaneseq.u32;
	s31 =	sshrl.u32 s9, $0x3;
	s9 =	sadd.s32 s10, s30;
	s8 =	sadd.s32 s8, s11  }
0x15: {  	v3 =	vimm.s32 $0x1;
	v4 =	vimm.f32 $0.0e+00;
	v2 =	vmul.u32 $0x400, v1;
	s10 =	sadd.s32 s10, s31;
	s11 =	smax.u32 s12, $0x1;
	s12 =	simm.s32 $0x80  }
.LBB2_1:
0x16: {  	[tilespmem:s2], [sflag:$0x1] =	stream.strided.gather [hbm4b:s3+s12], $0x8000, s13, s12, $0x38;
	[tilespmem:$0x14400] =	vst v63  }
0x17: {  	s20 =	simm.s32 $0x10040  }
0x18: {  	[tilespmem:s20+$0xFFFFFFC0] =	vst v0  }
0x19: {  	[tilespmem:s20+$0x30] =	vst v0  }
0x1a: {  	[tilespmem:s20+$0x20] =	vst v0  }
0x1b: {  	[tilespmem:s20+$0x10] =	vst v0  }
0x1c: {  	[tilespmem:s20+$0x0] =	vst v0  }
0x1d: {  	[tilespmem:s20+$0xFFFFFFF0] =	vst v0  }
0x1e: {  	s21 =	simm.s32 $0x0;
	[tilespmem:s20+$0xFFFFFFE0] =	vst v0  }
.LBB2_2:
0x1f: {  	s21 =	sadd.s32 $0x80, s21;
	[tilespmem:s20+$0xFFFFFFD0] =	vst v0;
	s20 =	sadd.s32 $0x80, s20  }
0x20: {  	[tilespmem:s20+$0xFFFFFFC0] =	vst v0;
	p0 =	slt.u32 s21, $0x3F80  }
0x21: {  	[tilespmem:s20+$0x30] =	vst v0  }
.Ltmp0:
0x22: {  	[tilespmem:s20+$0x20] =	vst v0;
	(pc) =	sbr.rel @p0 .LBB2_2-.Ltmp0, $4  }
0x23: {  	[tilespmem:s20+$0x10] =	vst v0  }
0x24: {  	[tilespmem:s20+$0x0] =	vst v0  }
0x25: {  	[tilespmem:s20+$0xFFFFFFF0] =	vst v0  }
0x26: {  	[tilespmem:s20+$0xFFFFFFE0] =	vst v0  }
0x27: {  	[tilespmem:s20+$0xFFFFFFD0] =	vst v0  }
0x28: {  	_ =	swait.ge [sflag:s14], $0x8000  }
0x29: {  	[sflag:s14] =	ssyncset.done $0x0  }
0x2a: {  	s31 =	simm.s32 $0x40;
	[sflag:s14] =	ssyncadd.s32 $0xFFFF8000  }
0x2b: {  	[tilespmem:s15], [sflag:$0x2] =	stream.strided.gather [hbm4b:s4+s12], $0x8000, s13, s12, $0x38;
	[tilespmem:$0x14400] =	vst v63  }
0x2c: {  	v5 =	vld [tilespmem:s31+$0x30]  }
0x2d: {  	v6 =	vld [tilespmem:s31+$0xFFFFFFD0]  }
0x2e: {  	v7 =	vld [tilespmem:s31+$0xFFFFFFE0]  }
0x2f: {  	v8 =	vld [tilespmem:s31+$0xFFFFFFF0]  }
0x30: {  	v9 =	vld [tilespmem:s31+$0x0]  }
0x31: {  	v10 =	vld [tilespmem:s31+$0x10];
	v5 =	vadd.s32 v2, v5  }
0x32: {  	v6 =	vadd.s32 v2, v6  }
0x33: {  	v7 =	vadd.s32 v2, v7  }
0x34: {  	v11 =	vld [tilespmem:s31+$0x20];
	v8 =	vadd.s32 v2, v8  }
0x35: {  	s21 =	simm.s32 $0x10000;
	v12 =	vld [tilespmem:s31+$0xFFFFFFC0];
	v9 =	vadd.s32 v2, v9  }
0x36: {  	v10 =	vadd.s32 v2, v10;
	[tilespmem:v5+s21+$0x0] =	vst.idx.add.s32.msk $0xffff, v3  }
0x37: {  	[tilespmem:v6+s21+$0x0] =	vst.idx.add.s32.msk $0xffff, v3  }
0x38: {  	[tilespmem:v7+s21+$0x0] =	vst.idx.add.s32.msk $0xffff, v3  }
0x39: {  	[tilespmem:v8+s21+$0x0] =	vst.idx.add.s32.msk $0xffff, v3  }
0x3a: {  	[tilespmem:v9+s21+$0x0] =	vst.idx.add.s32.msk $0xffff, v3  }
0x3b: {  	s22 =	simm.s32 $0x0;
	s23 =	simm.s32 $0xC0;
	v5 =	vimm.s32 $0xFFFFFFFF;
	v7 =	vadd.s32 v2, v11;
	v8 =	vadd.s32 v2, v12;
	[tilespmem:v10+s21+$0x0] =	vst.idx.add.s32.msk $0xffff, v3  }
.LBB2_4:
0x3c: {  	v6 =	vld [tilespmem:s23+$0x30];
	s22 =	sadd.s32 $0x80, s22  }
0x3d: {  	v9 =	vld [tilespmem:s23+$0xFFFFFFD0];
	p0 =	slt.u32 s22, $0x7F80  }
0x3e: {  	v10 =	vld [tilespmem:s23+$0xFFFFFFE0]  }
0x3f: {  	v11 =	vld [tilespmem:s23+$0xFFFFFFF0]  }
0x40: {  	v12 =	vld [tilespmem:s23+$0x0]  }
0x41: {  	v13 =	vld [tilespmem:s23+$0x10];
	v6 =	vadd.s32 v2, v6  }
0x42: {  	v9 =	vadd.s32 v2, v9;
	v14 =	vld [tilespmem:s23+$0x20]  }
0x43: {  	v15 =	vld [tilespmem:s23+$0xFFFFFFC0];
	v10 =	vadd.s32 v2, v10  }
0x44: {  	v11 =	vadd.s32 v2, v11;
	[tilespmem:v8+s21+$0x0] =	vst.idx.add.s32.msk $0xffff, v3  }
0x45: {  	v12 =	vadd.s32 v2, v12;
	[tilespmem:v7+s21+$0x0] =	vst.idx.add.s32.msk $0xffff, v3  }
0x46: {  	s20 =	simm.s32 $0x0;
	v13 =	vadd.s32 v2, v13;
	[tilespmem:v6+s21+$0x0] =	vst.idx.add.s32.msk $0xffff, v3;
	v6 =	vimm.s32 $0x0  }
.Ltmp1:
0x47: {  	[tilespmem:v9+s21+$0x0] =	vst.idx.add.s32.msk $0xffff, v3;
	v7 =	vadd.s32 v2, v14;
	(pc) =	sbr.rel @p0 .LBB2_4-.Ltmp1, $4  }
0x48: {  	v8 =	vadd.s32 v2, v15;
	[tilespmem:v10+s21+$0x0] =	vst.idx.add.s32.msk $0xffff, v3  }
0x49: {  	[tilespmem:v11+s21+$0x0] =	vst.idx.add.s32.msk $0xffff, v3  }
0x4a: {  	[tilespmem:v12+s21+$0x0] =	vst.idx.add.s32.msk $0xffff, v3  }
0x4b: {  	s23 =	sadd.s32 $0x80, s23;
	[tilespmem:v13+s21+$0x0] =	vst.idx.add.s32.msk $0xffff, v3  }
0x4c: {  	_ =	sdelay $0x3  }
0x4d: {  	[tilespmem:v8+s21+$0x0] =	vst.idx.add.s32.msk $0xffff, v3  }
0x4e: {  	[tilespmem:v7+s21+$0x0] =	vst.idx.add.s32.msk $0xffff, v3  }
0x4f: {  	s31 =	sand.u32 $0x3F0, s20;
	v7 =	vld [tilespmem:s21+$0x0];
	[tilespmem:s21+$0x0] =	vst v0  }
0x50: {  	v8 =	vld [tilespmem:s31+$0x10400];
	[tilespmem:s31+$0x10400] =	vst v0  }
0x51: {  	v9 =	vld [tilespmem:s31+$0x10800];
	[tilespmem:s31+$0x10800] =	vst v0  }
0x52: {  	v10 =	vld [tilespmem:s31+$0x10C00];
	[tilespmem:s31+$0x10C00] =	vst v0  }
0x53: {  	v11 =	vld [tilespmem:s31+$0x11000];
	[tilespmem:s31+$0x11000] =	vst v0  }
0x54: {  	v12 =	vld [tilespmem:s31+$0x11400];
	[tilespmem:s31+$0x11400] =	vst v0  }
0x55: {  	v13 =	vld [tilespmem:s31+$0x11800];
	[tilespmem:s31+$0x11800] =	vst v0;
	v7 =	vadd.s32 v7, v8  }
0x56: {  	v8 =	vld [tilespmem:s31+$0x11C00];
	[tilespmem:s31+$0x11C00] =	vst v0;
	v7 =	vadd.s32 v9, v7  }
0x57: {  	v9 =	vld [tilespmem:s31+$0x12000];
	[tilespmem:s31+$0x12000] =	vst v0;
	v7 =	vadd.s32 v10, v7  }
0x58: {  	v10 =	vld [tilespmem:s31+$0x12400];
	[tilespmem:s31+$0x12400] =	vst v0;
	v7 =	vadd.s32 v11, v7  }
0x59: {  	v11 =	vld [tilespmem:s31+$0x12800];
	[tilespmem:s31+$0x12800] =	vst v0;
	v7 =	vadd.s32 v12, v7  }
0x5a: {  	v12 =	vld [tilespmem:s31+$0x12C00];
	[tilespmem:s31+$0x12C00] =	vst v0;
	v13 =	vadd.s32 v13, v7  }
0x5b: {  	v7 =	vld [tilespmem:s31+$0x13000];
	[tilespmem:s31+$0x13000] =	vst v0;
	v13 =	vadd.s32 v8, v13  }
0x5c: {  	v8 =	vld [tilespmem:s31+$0x13400];
	[tilespmem:s31+$0x13400] =	vst v0;
	v13 =	vadd.s32 v9, v13  }
0x5d: {  	v9 =	vld [tilespmem:s31+$0x13800];
	[tilespmem:s31+$0x13800] =	vst v0;
	v13 =	vadd.s32 v10, v13  }
0x5e: {  	s23 =	simm.s32 $0x10010;
	s22 =	simm.s32 $0x10;
	v10 =	vld [tilespmem:s31+$0x13C00];
	[tilespmem:s31+$0x13C00] =	vst v0;
	v13 =	vadd.s32 v11, v13  }
0x5f: {  	s24 =	simm.s32 $0x20;
	s21 =	sand.u32 $0x3F0, s22;
	v11 =	vld [tilespmem:s23+$0x0];
	[tilespmem:s23+$0x0] =	vst v0;
	v12 =	vadd.s32 v12, v13  }
.LBB2_6:
0x60: {  	p0 =	sne.s32 s24, $0x3E0;
	v13 =	vld [tilespmem:s21+$0x10400];
	[tilespmem:s21+$0x10400] =	vst v0;
	v7 =	vadd.s32 v7, v12  }
0x61: {  	v12 =	vld [tilespmem:s21+$0x10800];
	[tilespmem:s21+$0x10800] =	vst v0;
	v7 =	vadd.s32 v8, v7  }
0x62: {  	v8 =	vld [tilespmem:s21+$0x10C00];
	[tilespmem:s21+$0x10C00] =	vst v0;
	v7 =	vadd.s32 v9, v7  }
0x63: {  	v9 =	vld [tilespmem:s21+$0x11000];
	[tilespmem:s21+$0x11000] =	vst v0;
	v7 =	vadd.s32 v10, v7  }
0x64: {  	v14 =	vor.u32 s20, v1;
	s20 =	smov.u32 s22;
	s22 =	smov.u32 s24;
	v10 =	vld [tilespmem:s21+$0x11400];
	[tilespmem:s21+$0x11400] =	vst v0;
	vm0 =	vgt.s32 v7, v5  }
0x65: {  	v11 =	vadd.s32 v11, v13;
	v13 =	vld [tilespmem:s21+$0x11800];
	[tilespmem:s21+$0x11800] =	vst v0;
	v5 =	vsel vm0, v7, v5;
	v6 =	vsel vm0, v14, v6  }
0x66: {  	v7 =	vadd.s32 v12, v11;
	v11 =	vld [tilespmem:s21+$0x11C00];
	[tilespmem:s21+$0x11C00] =	vst v0  }
0x67: {  	v7 =	vadd.s32 v8, v7;
	v8 =	vld [tilespmem:s21+$0x12000];
	[tilespmem:s21+$0x12000] =	vst v0  }
0x68: {  	v7 =	vadd.s32 v9, v7;
	v9 =	vld [tilespmem:s21+$0x12400];
	[tilespmem:s21+$0x12400] =	vst v0  }
0x69: {  	v7 =	vadd.s32 v10, v7;
	v10 =	vld [tilespmem:s21+$0x12800];
	[tilespmem:s21+$0x12800] =	vst v0  }
0x6a: {  	v7 =	vadd.s32 v13, v7;
	v12 =	vld [tilespmem:s21+$0x12C00];
	[tilespmem:s21+$0x12C00] =	vst v0  }
.Ltmp2:
0x6b: {  	v11 =	vadd.s32 v11, v7;
	v7 =	vld [tilespmem:s21+$0x13000];
	[tilespmem:s21+$0x13000] =	vst v0;
	(pc) =	sbr.rel @p0 .LBB2_6-.Ltmp2, $4  }
0x6c: {  	v11 =	vadd.s32 v8, v11;
	v8 =	vld [tilespmem:s21+$0x13400];
	[tilespmem:s21+$0x13400] =	vst v0  }
0x6d: {  	v11 =	vadd.s32 v9, v11;
	v9 =	vld [tilespmem:s21+$0x13800];
	[tilespmem:s21+$0x13800] =	vst v0  }
0x6e: {  	s23 =	sadd.s32 $0x10, s23;
	v13 =	vadd.s32 v10, v11;
	v10 =	vld [tilespmem:s21+$0x13C00];
	[tilespmem:s21+$0x13C00] =	vst v0  }
0x6f: {  	s24 =	sadd.s32 $0x10, s24;
	s21 =	sand.u32 $0x3F0, s22;
	v11 =	vld [tilespmem:s23+$0x0];
	[tilespmem:s23+$0x0] =	vst v0;
	v12 =	vadd.s32 v12, v13  }
0x70: {  	v13 =	vld [tilespmem:s21+$0x10400]  }
0x71: {  	v14 =	vld [tilespmem:s21+$0x10800]  }
0x72: {  	v15 =	vld [tilespmem:s21+$0x10C00]  }
0x73: {  	v16 =	vld [tilespmem:s21+$0x11000]  }
0x74: {  	v17 =	vld [tilespmem:s21+$0x11400]  }
0x75: {  	v18 =	vld [tilespmem:s21+$0x11800];
	v11 =	vadd.s32 v11, v13  }
0x76: {  	v19 =	vld [tilespmem:s21+$0x11C00];
	v11 =	vadd.s32 v14, v11  }
0x77: {  	v20 =	vld [tilespmem:s21+$0x12000];
	v11 =	vadd.s32 v15, v11  }
0x78: {  	v21 =	vld [tilespmem:s21+$0x12400];
	v11 =	vadd.s32 v16, v11  }
0x79: {  	v22 =	vld [tilespmem:s21+$0x12800];
	v11 =	vadd.s32 v17, v11  }
0x7a: {  	v58 =	vld [tilespmem:s21+$0x12C00];
	v11 =	vadd.s32 v18, v11  }
0x7b: {  	v59 =	vld [tilespmem:s21+$0x13000];
	v11 =	vadd.s32 v19, v11  }
0x7c: {  	v60 =	vld [tilespmem:s21+$0x13400];
	v11 =	vadd.s32 v20, v11  }
0x7d: {  	v61 =	vld [tilespmem:s21+$0x13800];
	v11 =	vadd.s32 v21, v11  }
0x7e: {  	v7 =	vadd.s32 v7, v12;
	v62 =	vld [tilespmem:s21+$0x13C00];
	v11 =	vadd.s32 v22, v11  }
0x7f: {  	v7 =	vadd.s32 v8, v7;
	v8 =	vadd.s32 v58, v11  }
0x80: {  	v7 =	vadd.s32 v9, v7;
	v8 =	vadd.s32 v59, v8  }
0x81: {  	v7 =	vadd.s32 v10, v7;
	v8 =	vadd.s32 v60, v8  }
0x82: {  	vm0 =	vgt.s32 v7, v5;
	v8 =	vadd.s32 v61, v8  }
0x83: {  	v5 =	vsel vm0, v7, v5;
	v7 =	vadd.s32 v62, v8  }
0x84: {  	vm1 =	vgt.s32 v7, v5  }
0x85: {  	v5 =	vsel vm1, v7, v5  }
0x86: {  	v7 =	vxor.u32 $0x80000000, v5  }
0x87: {  	(xrf0) =	vmax.scan.msk.u32 $0xffff, v7;
	_ =	sdelay $0x5  }
0x88: {  	v7, _, _ =	vpop (xrf0)  }
0x89: {  	(v2sf) =	vpush v7, $0xF;
	_ =	sdelay $0xd  }
0x8a: {  	v7 =	vor.u32 s20, v1  }
0x8b: {  	v6 =	vsel vm0, v7, v6;
	v7 =	vor.u32 s22, v1;
	s25 =	spop (v2sf)  }
0x8c: {  	v6 =	vsel vm1, v7, v6;
	s20 =	sxor.u32 $0x80000000, s25  }
0x8d: {  	vm0 =	veq.s32 v5, s20;
	v5 =	vxor.u32 $0x80000000, v6  }
0x8e: {  	v5 =	vnsel vm0, $0xC0000000, v5  }
0x8f: {  	(xrf0) =	vmin.scan.msk.u32 $0xffff, v5;
	_ =	sdelay $0x5  }
0x90: {  	v5, _, _ =	vpop (xrf0)  }
0x91: {  	(v2sf) =	vpush v5, $0xF;
	_ =	sdelay $0x4  }
0x92: {  	[tilespmem:s21+$0x10400] =	vst v0  }
0x93: {  	[tilespmem:s21+$0x10800] =	vst v0  }
0x94: {  	[tilespmem:s21+$0x10C00] =	vst v0  }
0x95: {  	[tilespmem:s21+$0x11000] =	vst v0  }
0x96: {  	[tilespmem:s21+$0x11400] =	vst v0  }
0x97: {  	[tilespmem:s21+$0x11800] =	vst v0  }
0x98: {  	[tilespmem:s21+$0x11C00] =	vst v0  }
0x99: {  	[tilespmem:s21+$0x12000] =	vst v0  }
0x9a: {  	[tilespmem:s21+$0x12400] =	vst v0  }
0x9b: {  	[tilespmem:s21+$0x12800] =	vst v0  }
0x9c: {  	[tilespmem:s21+$0x12C00] =	vst v0;
	s26 =	spop (v2sf)  }
0x9d: {  	[tilespmem:s21+$0x13000] =	vst v0;
	s28 =	simm.s32 $0x30;
	s20 =	sxor.u32 $0x80000000, s26  }
0x9e: {  	[tilespmem:s21+$0x13400] =	vst v0;
	s29 =	simm.s32 $0x10;
	v6 =	vor.u32 s28, v1;
	v5 =	vmov s20  }
0x9f: {  	[tilespmem:s21+$0x13800] =	vst v0;
	s30 =	simm.s32 $0x20;
	v7 =	vor.u32 s29, v1;
	vm0 =	veq.s32 v6, v5  }
0xa0: {  	[tilespmem:s21+$0x13C00] =	vst v0;
	s31 =	simm.s32 $0x0;
	s22 =	simm.s32 $0x14020;
	vm1 =	veq.s32 v7, v5;
	v6 =	vor.u32 s30, v1;
	v7 =	vsel vm0, $0x3F800000, v4  }
0xa1: {  	v8 =	vor.u32 s31, v1;
	v63 =	vsel vm1, $0x3F800000, v4;
	vm1 =	veq.s32 v6, v5;
	[tilespmem:s22+$0x10] =	vst v7  }
0xa2: {  	s23 =	simm.s32 $0x40;
	s21 =	simm.s32 $0x143C0;
	s20 =	simm.s32 $0x3B0;
	vm0 =	veq.s32 v8, v5;
	[tilespmem:s22+$0xFFFFFFF0] =	vst v63;
	v6 =	vsel vm1, $0x3F800000, v4  }
.LBB2_8:
0xa3: {  	s24 =	sadd.s32 $0x30, s23  }
0xa4: {  	p0 =	slt.u32 s23, $0x380;
	v7 =	vsel vm0, $0x3F800000, v4;
	[tilespmem:s22+$0x0] =	vst v6;
	s25 =	smov.u32 s23;
	s23 =	sadd.s32 $0x40, s23  }
.Ltmp3:
0xa5: {  	s26 =	sadd.s32 $0x10, s25;
	v6 =	vor.u32 s24, v1;
	[tilespmem:s22+$0xFFFFFFE0] =	vst v7;
	(pc) =	sbr.rel @p0 .LBB2_8-.Ltmp3, $4  }
0xa6: {  	s24 =	sadd.s32 $0x20, s25;
	v7 =	vor.u32 s26, v1;
	vm0 =	veq.s32 v6, v5  }
0xa7: {  	s22 =	sadd.s32 $0x40, s22;
	v6 =	vor.u32 s24, v1;
	vm1 =	veq.s32 v7, v5;
	v7 =	vsel vm0, $0x3F800000, v4  }
0xa8: {  	v8 =	vor.u32 s25, v1;
	v9 =	vsel vm1, $0x3F800000, v4;
	vm1 =	veq.s32 v6, v5;
	[tilespmem:s22+$0x10] =	vst v7  }
0xa9: {  	vm0 =	veq.s32 v8, v5;
	[tilespmem:s22+$0xFFFFFFF0] =	vst v9;
	v6 =	vsel vm1, $0x3F800000, v4  }
0xaa: {  	v7 =	vsel vm0, $0x3F800000, v4;
	[tilespmem:s22+$0x0] =	vst v6  }
0xab: {  	[tilespmem:s22+$0xFFFFFFE0] =	vst v7  }
.LBB2_10:
0xac: {  	s20 =	sadd.s32 $0x10, s20  }
0xad: {  	p0 =	slt.u32 s20, $0x3E0  }
.Ltmp4:
0xae: {  	_ = 	snop;
	(pc) =	sbr.rel @p0 .LBB2_10-.Ltmp4, $4  }
0xaf: {  	v6 =	vor.u32 s20, v1  }
0xb0: {  	vm0 =	veq.s32 v6, v5  }
0xb1: {  	v6 =	vsel vm0, $0x3F800000, v4  }
0xb2: {  	[tilespmem:s21+$0x0] =	vst v6;
	s21 =	sadd.s32 $0x10, s21  }
0xb3: {  	[hbm4b:s5+s12] =	stream.strided.scatter [tilespmem:s16], [sflag:$0x3], $0x400, s13, s12, $0x38;
	[tilespmem:$0x14400] =	vst v63  }
0xb4: {  	_ =	swait.ge [sflag:s17], $0x400  }
0xb5: {  	[sflag:s17] =	ssyncset.done $0x0  }
0xb6: {  	[sflag:s17] =	ssyncadd.s32 $0xFFFFFC00  }
0xb7: {  	_ =	swait.ge [sflag:s18], $0x8000  }
0xb8: {  	[sflag:s18] =	ssyncset.done $0x0  }
0xb9: {  	s20 =	simm.s32 $0x8040;
	[sflag:s18] =	ssyncadd.s32 $0xFFFF8000  }
0xba: {  	[tilespmem:s2], [sflag:$0x1] =	stream.strided.gather [hbm4b:s6+s12], $0x8000, s13, s12, $0x38;
	[tilespmem:$0x14400] =	vst v63  }
0xbb: {  	v5 =	vld [tilespmem:s20+$0x30]  }
0xbc: {  	v6 =	vld [tilespmem:s20+$0xFFFFFFD0]  }
0xbd: {  	v7 =	vld [tilespmem:s20+$0xFFFFFFE0]  }
0xbe: {  	v8 =	vld [tilespmem:s20+$0xFFFFFFF0]  }
0xbf: {  	v9 =	vld [tilespmem:s20+$0x0]  }
0xc0: {  	v10 =	vld [tilespmem:s20+$0x10];
	v5 =	vadd.s32 v2, v5  }
0xc1: {  	v6 =	vadd.s32 v2, v6  }
0xc2: {  	v7 =	vadd.s32 v2, v7  }
0xc3: {  	v11 =	vld [tilespmem:s20+$0x20];
	v8 =	vadd.s32 v2, v8  }
0xc4: {  	s21 =	simm.s32 $0x10000;
	v12 =	vld [tilespmem:s20+$0xFFFFFFC0];
	v9 =	vadd.s32 v2, v9  }
0xc5: {  	v10 =	vadd.s32 v2, v10;
	[tilespmem:v5+s21+$0x0] =	vst.idx.add.s32.msk $0xffff, v3  }
0xc6: {  	[tilespmem:v6+s21+$0x0] =	vst.idx.add.s32.msk $0xffff, v3  }
0xc7: {  	[tilespmem:v7+s21+$0x0] =	vst.idx.add.s32.msk $0xffff, v3  }
0xc8: {  	[tilespmem:v8+s21+$0x0] =	vst.idx.add.s32.msk $0xffff, v3  }
0xc9: {  	[tilespmem:v9+s21+$0x0] =	vst.idx.add.s32.msk $0xffff, v3  }
0xca: {  	s22 =	simm.s32 $0x0;
	s23 =	simm.s32 $0x80C0;
	v7 =	vadd.s32 v2, v11;
	v8 =	vadd.s32 v2, v12;
	[tilespmem:v10+s21+$0x0] =	vst.idx.add.s32.msk $0xffff, v3  }
.LBB2_12:
0xcb: {  	v5 =	vld [tilespmem:s23+$0x30];
	s22 =	sadd.s32 $0x80, s22  }
0xcc: {  	v6 =	vld [tilespmem:s23+$0xFFFFFFD0];
	p0 =	slt.u32 s22, $0x7F80  }
0xcd: {  	v9 =	vld [tilespmem:s23+$0xFFFFFFE0]  }
0xce: {  	v10 =	vld [tilespmem:s23+$0xFFFFFFF0]  }
0xcf: {  	v11 =	vld [tilespmem:s23+$0x0]  }
0xd0: {  	v12 =	vld [tilespmem:s23+$0x10];
	v5 =	vadd.s32 v2, v5  }
0xd1: {  	v13 =	vadd.s32 v2, v6;
	v14 =	vld [tilespmem:s23+$0x20]  }
0xd2: {  	v15 =	vld [tilespmem:s23+$0xFFFFFFC0];
	v9 =	vadd.s32 v2, v9  }
0xd3: {  	v10 =	vadd.s32 v2, v10;
	[tilespmem:v8+s21+$0x0] =	vst.idx.add.s32.msk $0xffff, v3  }
0xd4: {  	v11 =	vadd.s32 v2, v11;
	[tilespmem:v7+s21+$0x0] =	vst.idx.add.s32.msk $0xffff, v3  }
0xd5: {  	s20 =	simm.s32 $0x0;
	v6 =	vimm.s32 $0xFFFFFFFF;
	v12 =	vadd.s32 v2, v12;
	[tilespmem:v5+s21+$0x0] =	vst.idx.add.s32.msk $0xffff, v3;
	v5 =	vimm.s32 $0x0  }
.Ltmp5:
0xd6: {  	[tilespmem:v13+s21+$0x0] =	vst.idx.add.s32.msk $0xffff, v3;
	v7 =	vadd.s32 v2, v14;
	(pc) =	sbr.rel @p0 .LBB2_12-.Ltmp5, $4  }
0xd7: {  	v8 =	vadd.s32 v2, v15;
	[tilespmem:v9+s21+$0x0] =	vst.idx.add.s32.msk $0xffff, v3  }
0xd8: {  	[tilespmem:v10+s21+$0x0] =	vst.idx.add.s32.msk $0xffff, v3  }
0xd9: {  	[tilespmem:v11+s21+$0x0] =	vst.idx.add.s32.msk $0xffff, v3  }
0xda: {  	s23 =	sadd.s32 $0x80, s23;
	[tilespmem:v12+s21+$0x0] =	vst.idx.add.s32.msk $0xffff, v3  }
0xdb: {  	_ =	sdelay $0x3  }
0xdc: {  	[tilespmem:v8+s21+$0x0] =	vst.idx.add.s32.msk $0xffff, v3  }
0xdd: {  	[tilespmem:v7+s21+$0x0] =	vst.idx.add.s32.msk $0xffff, v3  }
0xde: {  	s31 =	sand.u32 $0x3F0, s20;
	v7 =	vld [tilespmem:s21+$0x0];
	[tilespmem:s21+$0x0] =	vst v0  }
0xdf: {  	v8 =	vld [tilespmem:s31+$0x10400];
	[tilespmem:s31+$0x10400] =	vst v0  }
0xe0: {  	v9 =	vld [tilespmem:s31+$0x10800];
	[tilespmem:s31+$0x10800] =	vst v0  }
0xe1: {  	v10 =	vld [tilespmem:s31+$0x10C00];
	[tilespmem:s31+$0x10C00] =	vst v0  }
0xe2: {  	v11 =	vld [tilespmem:s31+$0x11000];
	[tilespmem:s31+$0x11000] =	vst v0  }
0xe3: {  	v12 =	vld [tilespmem:s31+$0x11400];
	[tilespmem:s31+$0x11400] =	vst v0  }
0xe4: {  	v13 =	vld [tilespmem:s31+$0x11800];
	[tilespmem:s31+$0x11800] =	vst v0;
	v7 =	vadd.s32 v7, v8  }
0xe5: {  	v8 =	vld [tilespmem:s31+$0x11C00];
	[tilespmem:s31+$0x11C00] =	vst v0;
	v7 =	vadd.s32 v9, v7  }
0xe6: {  	v9 =	vld [tilespmem:s31+$0x12000];
	[tilespmem:s31+$0x12000] =	vst v0;
	v7 =	vadd.s32 v10, v7  }
0xe7: {  	v10 =	vld [tilespmem:s31+$0x12400];
	[tilespmem:s31+$0x12400] =	vst v0;
	v7 =	vadd.s32 v11, v7  }
0xe8: {  	v11 =	vld [tilespmem:s31+$0x12800];
	[tilespmem:s31+$0x12800] =	vst v0;
	v7 =	vadd.s32 v12, v7  }
0xe9: {  	v12 =	vld [tilespmem:s31+$0x12C00];
	[tilespmem:s31+$0x12C00] =	vst v0;
	v13 =	vadd.s32 v13, v7  }
0xea: {  	v7 =	vld [tilespmem:s31+$0x13000];
	[tilespmem:s31+$0x13000] =	vst v0;
	v13 =	vadd.s32 v8, v13  }
0xeb: {  	v8 =	vld [tilespmem:s31+$0x13400];
	[tilespmem:s31+$0x13400] =	vst v0;
	v13 =	vadd.s32 v9, v13  }
0xec: {  	v9 =	vld [tilespmem:s31+$0x13800];
	[tilespmem:s31+$0x13800] =	vst v0;
	v13 =	vadd.s32 v10, v13  }
0xed: {  	s23 =	simm.s32 $0x10010;
	s22 =	simm.s32 $0x10;
	v10 =	vld [tilespmem:s31+$0x13C00];
	[tilespmem:s31+$0x13C00] =	vst v0;
	v13 =	vadd.s32 v11, v13  }
0xee: {  	s24 =	simm.s32 $0x20;
	s21 =	sand.u32 $0x3F0, s22;
	v11 =	vld [tilespmem:s23+$0x0];
	[tilespmem:s23+$0x0] =	vst v0;
	v12 =	vadd.s32 v12, v13  }
.LBB2_14:
0xef: {  	p0 =	sne.s32 s24, $0x3E0;
	v13 =	vld [tilespmem:s21+$0x10400];
	[tilespmem:s21+$0x10400] =	vst v0;
	v7 =	vadd.s32 v7, v12  }
0xf0: {  	v12 =	vld [tilespmem:s21+$0x10800];
	[tilespmem:s21+$0x10800] =	vst v0;
	v7 =	vadd.s32 v8, v7  }
0xf1: {  	v8 =	vld [tilespmem:s21+$0x10C00];
	[tilespmem:s21+$0x10C00] =	vst v0;
	v7 =	vadd.s32 v9, v7  }
0xf2: {  	v9 =	vld [tilespmem:s21+$0x11000];
	[tilespmem:s21+$0x11000] =	vst v0;
	v7 =	vadd.s32 v10, v7  }
0xf3: {  	v14 =	vor.u32 s20, v1;
	s20 =	smov.u32 s22;
	s22 =	smov.u32 s24;
	v10 =	vld [tilespmem:s21+$0x11400];
	[tilespmem:s21+$0x11400] =	vst v0;
	vm0 =	vgt.s32 v7, v6  }
0xf4: {  	v11 =	vadd.s32 v11, v13;
	v13 =	vld [tilespmem:s21+$0x11800];
	[tilespmem:s21+$0x11800] =	vst v0;
	v6 =	vsel vm0, v7, v6;
	v5 =	vsel vm0, v14, v5  }
0xf5: {  	v7 =	vadd.s32 v12, v11;
	v11 =	vld [tilespmem:s21+$0x11C00];
	[tilespmem:s21+$0x11C00] =	vst v0  }
0xf6: {  	v7 =	vadd.s32 v8, v7;
	v8 =	vld [tilespmem:s21+$0x12000];
	[tilespmem:s21+$0x12000] =	vst v0  }
0xf7: {  	v7 =	vadd.s32 v9, v7;
	v9 =	vld [tilespmem:s21+$0x12400];
	[tilespmem:s21+$0x12400] =	vst v0  }
0xf8: {  	v7 =	vadd.s32 v10, v7;
	v10 =	vld [tilespmem:s21+$0x12800];
	[tilespmem:s21+$0x12800] =	vst v0  }
0xf9: {  	v7 =	vadd.s32 v13, v7;
	v12 =	vld [tilespmem:s21+$0x12C00];
	[tilespmem:s21+$0x12C00] =	vst v0  }
.Ltmp6:
0xfa: {  	v11 =	vadd.s32 v11, v7;
	v7 =	vld [tilespmem:s21+$0x13000];
	[tilespmem:s21+$0x13000] =	vst v0;
	(pc) =	sbr.rel @p0 .LBB2_14-.Ltmp6, $4  }
0xfb: {  	v11 =	vadd.s32 v8, v11;
	v8 =	vld [tilespmem:s21+$0x13400];
	[tilespmem:s21+$0x13400] =	vst v0  }
0xfc: {  	v11 =	vadd.s32 v9, v11;
	v9 =	vld [tilespmem:s21+$0x13800];
	[tilespmem:s21+$0x13800] =	vst v0  }
0xfd: {  	s23 =	sadd.s32 $0x10, s23;
	v13 =	vadd.s32 v10, v11;
	v10 =	vld [tilespmem:s21+$0x13C00];
	[tilespmem:s21+$0x13C00] =	vst v0  }
0xfe: {  	s24 =	sadd.s32 $0x10, s24;
	s21 =	sand.u32 $0x3F0, s22;
	v11 =	vld [tilespmem:s23+$0x0];
	[tilespmem:s23+$0x0] =	vst v0;
	v12 =	vadd.s32 v12, v13  }
0xff: {  	v13 =	vld [tilespmem:s21+$0x10400]  }
0x100: {  	v14 =	vld [tilespmem:s21+$0x10800]  }
0x101: {  	v15 =	vld [tilespmem:s21+$0x10C00]  }
0x102: {  	v16 =	vld [tilespmem:s21+$0x11000]  }
0x103: {  	v17 =	vld [tilespmem:s21+$0x11400]  }
0x104: {  	v18 =	vld [tilespmem:s21+$0x11800];
	v11 =	vadd.s32 v11, v13  }
0x105: {  	v19 =	vld [tilespmem:s21+$0x11C00];
	v11 =	vadd.s32 v14, v11  }
0x106: {  	v20 =	vld [tilespmem:s21+$0x12000];
	v11 =	vadd.s32 v15, v11  }
0x107: {  	v21 =	vld [tilespmem:s21+$0x12400];
	v11 =	vadd.s32 v16, v11  }
0x108: {  	v22 =	vld [tilespmem:s21+$0x12800];
	v11 =	vadd.s32 v17, v11  }
0x109: {  	v58 =	vld [tilespmem:s21+$0x12C00];
	v11 =	vadd.s32 v18, v11  }
0x10a: {  	v59 =	vld [tilespmem:s21+$0x13000];
	v11 =	vadd.s32 v19, v11  }
0x10b: {  	v60 =	vld [tilespmem:s21+$0x13400];
	v11 =	vadd.s32 v20, v11  }
0x10c: {  	v61 =	vld [tilespmem:s21+$0x13800];
	v11 =	vadd.s32 v21, v11  }
0x10d: {  	v7 =	vadd.s32 v7, v12;
	v62 =	vld [tilespmem:s21+$0x13C00];
	v11 =	vadd.s32 v22, v11  }
0x10e: {  	v7 =	vadd.s32 v8, v7;
	v8 =	vadd.s32 v58, v11  }
0x10f: {  	v7 =	vadd.s32 v9, v7;
	v8 =	vadd.s32 v59, v8  }
0x110: {  	v7 =	vadd.s32 v10, v7;
	v8 =	vadd.s32 v60, v8  }
0x111: {  	vm0 =	vgt.s32 v7, v6;
	v8 =	vadd.s32 v61, v8  }
0x112: {  	v6 =	vsel vm0, v7, v6;
	v7 =	vadd.s32 v62, v8  }
0x113: {  	vm1 =	vgt.s32 v7, v6  }
0x114: {  	v6 =	vsel vm1, v7, v6  }
0x115: {  	v7 =	vxor.u32 $0x80000000, v6  }
0x116: {  	(xrf0) =	vmax.scan.msk.u32 $0xffff, v7;
	_ =	sdelay $0x5  }
0x117: {  	v7, _, _ =	vpop (xrf0)  }
0x118: {  	(v2sf) =	vpush v7, $0xF;
	_ =	sdelay $0xd  }
0x119: {  	v7 =	vor.u32 s20, v1  }
0x11a: {  	v5 =	vsel vm0, v7, v5;
	v7 =	vor.u32 s22, v1;
	s25 =	spop (v2sf)  }
0x11b: {  	v5 =	vsel vm1, v7, v5;
	s20 =	sxor.u32 $0x80000000, s25  }
0x11c: {  	v5 =	vxor.u32 $0x80000000, v5;
	vm0 =	veq.s32 v6, s20  }
0x11d: {  	v5 =	vnsel vm0, $0xC0000000, v5  }
0x11e: {  	(xrf0) =	vmin.scan.msk.u32 $0xffff, v5;
	_ =	sdelay $0x5  }
0x11f: {  	v5, _, _ =	vpop (xrf0)  }
0x120: {  	(v2sf) =	vpush v5, $0xF;
	_ =	sdelay $0x4  }
0x121: {  	[tilespmem:s21+$0x10400] =	vst v0  }
0x122: {  	[tilespmem:s21+$0x10800] =	vst v0  }
0x123: {  	[tilespmem:s21+$0x10C00] =	vst v0  }
0x124: {  	[tilespmem:s21+$0x11000] =	vst v0  }
0x125: {  	[tilespmem:s21+$0x11400] =	vst v0  }
0x126: {  	[tilespmem:s21+$0x11800] =	vst v0  }
0x127: {  	[tilespmem:s21+$0x11C00] =	vst v0  }
0x128: {  	[tilespmem:s21+$0x12000] =	vst v0  }
0x129: {  	[tilespmem:s21+$0x12400] =	vst v0  }
0x12a: {  	[tilespmem:s21+$0x12800] =	vst v0  }
0x12b: {  	[tilespmem:s21+$0x12C00] =	vst v0;
	s26 =	spop (v2sf)  }
0x12c: {  	[tilespmem:s21+$0x13000] =	vst v0;
	s28 =	simm.s32 $0x30;
	s20 =	sxor.u32 $0x80000000, s26  }
0x12d: {  	[tilespmem:s21+$0x13400] =	vst v0;
	s29 =	simm.s32 $0x10;
	v6 =	vor.u32 s28, v1;
	v5 =	vmov s20  }
0x12e: {  	[tilespmem:s21+$0x13800] =	vst v0;
	s30 =	simm.s32 $0x20;
	v7 =	vor.u32 s29, v1;
	vm0 =	veq.s32 v6, v5  }
0x12f: {  	[tilespmem:s21+$0x13C00] =	vst v0;
	s31 =	simm.s32 $0x0;
	s20 =	simm.s32 $0x14020;
	vm1 =	veq.s32 v7, v5;
	v6 =	vor.u32 s30, v1;
	v7 =	vsel vm0, $0x3F800000, v4  }
0x130: {  	v8 =	vor.u32 s31, v1;
	v63 =	vsel vm1, $0x3F800000, v4;
	vm1 =	veq.s32 v6, v5;
	[tilespmem:s20+$0x10] =	vst v7  }
0x131: {  	s21 =	simm.s32 $0x40;
	vm0 =	veq.s32 v8, v5;
	[tilespmem:s20+$0xFFFFFFF0] =	vst v63;
	v6 =	vsel vm1, $0x3F800000, v4  }
.LBB2_16:
0x132: {  	s22 =	sadd.s32 $0x30, s21  }
0x133: {  	p0 =	slt.u32 s21, $0x380;
	v7 =	vsel vm0, $0x3F800000, v4;
	[tilespmem:s20+$0x0] =	vst v6;
	s23 =	smov.u32 s21;
	s21 =	sadd.s32 $0x40, s21  }
.Ltmp7:
0x134: {  	s24 =	sadd.s32 $0x10, s23;
	v6 =	vor.u32 s22, v1;
	[tilespmem:s20+$0xFFFFFFE0] =	vst v7;
	(pc) =	sbr.rel @p0 .LBB2_16-.Ltmp7, $4  }
0x135: {  	s22 =	sadd.s32 $0x20, s23;
	v7 =	vor.u32 s24, v1;
	vm0 =	veq.s32 v6, v5  }
0x136: {  	s20 =	sadd.s32 $0x40, s20;
	v6 =	vor.u32 s22, v1;
	vm1 =	veq.s32 v7, v5;
	v7 =	vsel vm0, $0x3F800000, v4  }
0x137: {  	v8 =	vor.u32 s23, v1;
	s23 =	simm.s32 $0x143C0;
	s22 =	simm.s32 $0x3B0;
	v9 =	vsel vm1, $0x3F800000, v4;
	vm1 =	veq.s32 v6, v5;
	[tilespmem:s20+$0x10] =	vst v7  }
0x138: {  	vm0 =	veq.s32 v8, v5;
	[tilespmem:s20+$0xFFFFFFF0] =	vst v9;
	v6 =	vsel vm1, $0x3F800000, v4  }
0x139: {  	v7 =	vsel vm0, $0x3F800000, v4;
	[tilespmem:s20+$0x0] =	vst v6  }
0x13a: {  	[tilespmem:s20+$0xFFFFFFE0] =	vst v7  }
.LBB2_18:
0x13b: {  	s22 =	sadd.s32 $0x10, s22  }
0x13c: {  	p0 =	slt.u32 s22, $0x3E0  }
.Ltmp8:
0x13d: {  	_ = 	snop;
	(pc) =	sbr.rel @p0 .LBB2_18-.Ltmp8, $4  }
0x13e: {  	v6 =	vor.u32 s22, v1  }
0x13f: {  	vm0 =	veq.s32 v6, v5  }
0x140: {  	v6 =	vsel vm0, $0x3F800000, v4  }
0x141: {  	[tilespmem:s23+$0x0] =	vst v6;
	s23 =	sadd.s32 $0x10, s23  }
0x142: {  	[hbm4b:s7+s12] =	stream.strided.scatter [tilespmem:s16], [sflag:$0x3], $0x400, s13, s12, $0x38;
	[tilespmem:$0x14400] =	vst v63  }
0x143: {  	_ =	swait.ge [sflag:s17], $0x400  }
0x144: {  	[sflag:s17] =	ssyncset.done $0x0  }
0x145: {  	[sflag:s17] =	ssyncadd.s32 $0xFFFFFC00  }
0x146: {  	_ =	swait.ge [sflag:s14], $0x8000  }
0x147: {  	[sflag:s14] =	ssyncset.done $0x0  }
0x148: {  	s20 =	simm.s32 $0x40;
	[sflag:s14] =	ssyncadd.s32 $0xFFFF8000  }
0x149: {  	[tilespmem:s15], [sflag:$0x2] =	stream.strided.gather [hbm4b:s8+s12], $0x8000, s13, s12, $0x38;
	[tilespmem:$0x14400] =	vst v63  }
0x14a: {  	v5 =	vld [tilespmem:s20+$0x30]  }
0x14b: {  	v6 =	vld [tilespmem:s20+$0xFFFFFFD0]  }
0x14c: {  	v7 =	vld [tilespmem:s20+$0xFFFFFFE0]  }
0x14d: {  	v8 =	vld [tilespmem:s20+$0xFFFFFFF0]  }
0x14e: {  	v9 =	vld [tilespmem:s20+$0x0]  }
0x14f: {  	v10 =	vld [tilespmem:s20+$0x10];
	v5 =	vadd.s32 v2, v5  }
0x150: {  	v6 =	vadd.s32 v2, v6  }
0x151: {  	v7 =	vadd.s32 v2, v7  }
0x152: {  	v11 =	vld [tilespmem:s20+$0x20];
	v8 =	vadd.s32 v2, v8  }
0x153: {  	s21 =	simm.s32 $0x10000;
	v12 =	vld [tilespmem:s20+$0xFFFFFFC0];
	v9 =	vadd.s32 v2, v9  }
0x154: {  	v10 =	vadd.s32 v2, v10;
	[tilespmem:v5+s21+$0x0] =	vst.idx.add.s32.msk $0xffff, v3  }
0x155: {  	[tilespmem:v6+s21+$0x0] =	vst.idx.add.s32.msk $0xffff, v3  }
0x156: {  	[tilespmem:v7+s21+$0x0] =	vst.idx.add.s32.msk $0xffff, v3  }
0x157: {  	[tilespmem:v8+s21+$0x0] =	vst.idx.add.s32.msk $0xffff, v3  }
0x158: {  	[tilespmem:v9+s21+$0x0] =	vst.idx.add.s32.msk $0xffff, v3  }
0x159: {  	s22 =	simm.s32 $0x0;
	s23 =	simm.s32 $0xC0;
	v7 =	vadd.s32 v2, v11;
	v8 =	vadd.s32 v2, v12;
	[tilespmem:v10+s21+$0x0] =	vst.idx.add.s32.msk $0xffff, v3  }
.LBB2_20:
0x15a: {  	v5 =	vld [tilespmem:s23+$0x30];
	s22 =	sadd.s32 $0x80, s22  }
0x15b: {  	v6 =	vld [tilespmem:s23+$0xFFFFFFD0];
	p0 =	slt.u32 s22, $0x7F80  }
0x15c: {  	v9 =	vld [tilespmem:s23+$0xFFFFFFE0]  }
0x15d: {  	v10 =	vld [tilespmem:s23+$0xFFFFFFF0]  }
0x15e: {  	v11 =	vld [tilespmem:s23+$0x0]  }
0x15f: {  	v12 =	vld [tilespmem:s23+$0x10];
	v5 =	vadd.s32 v2, v5  }
0x160: {  	v13 =	vadd.s32 v2, v6;
	v14 =	vld [tilespmem:s23+$0x20]  }
0x161: {  	v15 =	vld [tilespmem:s23+$0xFFFFFFC0];
	v9 =	vadd.s32 v2, v9  }
0x162: {  	v10 =	vadd.s32 v2, v10;
	[tilespmem:v8+s21+$0x0] =	vst.idx.add.s32.msk $0xffff, v3  }
0x163: {  	v11 =	vadd.s32 v2, v11;
	[tilespmem:v7+s21+$0x0] =	vst.idx.add.s32.msk $0xffff, v3  }
0x164: {  	s20 =	simm.s32 $0x0;
	v6 =	vimm.s32 $0xFFFFFFFF;
	v12 =	vadd.s32 v2, v12;
	[tilespmem:v5+s21+$0x0] =	vst.idx.add.s32.msk $0xffff, v3;
	v5 =	vimm.s32 $0x0  }
.Ltmp9:
0x165: {  	[tilespmem:v13+s21+$0x0] =	vst.idx.add.s32.msk $0xffff, v3;
	v7 =	vadd.s32 v2, v14;
	(pc) =	sbr.rel @p0 .LBB2_20-.Ltmp9, $4  }
0x166: {  	v8 =	vadd.s32 v2, v15;
	[tilespmem:v9+s21+$0x0] =	vst.idx.add.s32.msk $0xffff, v3  }
0x167: {  	[tilespmem:v10+s21+$0x0] =	vst.idx.add.s32.msk $0xffff, v3  }
0x168: {  	[tilespmem:v11+s21+$0x0] =	vst.idx.add.s32.msk $0xffff, v3  }
0x169: {  	s23 =	sadd.s32 $0x80, s23;
	[tilespmem:v12+s21+$0x0] =	vst.idx.add.s32.msk $0xffff, v3  }
0x16a: {  	_ =	sdelay $0x3  }
0x16b: {  	[tilespmem:v8+s21+$0x0] =	vst.idx.add.s32.msk $0xffff, v3  }
0x16c: {  	[tilespmem:v7+s21+$0x0] =	vst.idx.add.s32.msk $0xffff, v3  }
0x16d: {  	s31 =	sand.u32 $0x3F0, s20;
	v7 =	vld [tilespmem:s21+$0x0];
	[tilespmem:s21+$0x0] =	vst v0  }
0x16e: {  	v8 =	vld [tilespmem:s31+$0x10400];
	[tilespmem:s31+$0x10400] =	vst v0  }
0x16f: {  	v9 =	vld [tilespmem:s31+$0x10800];
	[tilespmem:s31+$0x10800] =	vst v0  }
0x170: {  	v10 =	vld [tilespmem:s31+$0x10C00];
	[tilespmem:s31+$0x10C00] =	vst v0  }
0x171: {  	v11 =	vld [tilespmem:s31+$0x11000];
	[tilespmem:s31+$0x11000] =	vst v0  }
0x172: {  	v12 =	vld [tilespmem:s31+$0x11400];
	[tilespmem:s31+$0x11400] =	vst v0  }
0x173: {  	v13 =	vld [tilespmem:s31+$0x11800];
	[tilespmem:s31+$0x11800] =	vst v0;
	v7 =	vadd.s32 v7, v8  }
0x174: {  	v8 =	vld [tilespmem:s31+$0x11C00];
	[tilespmem:s31+$0x11C00] =	vst v0;
	v7 =	vadd.s32 v9, v7  }
0x175: {  	v9 =	vld [tilespmem:s31+$0x12000];
	[tilespmem:s31+$0x12000] =	vst v0;
	v7 =	vadd.s32 v10, v7  }
0x176: {  	v10 =	vld [tilespmem:s31+$0x12400];
	[tilespmem:s31+$0x12400] =	vst v0;
	v7 =	vadd.s32 v11, v7  }
0x177: {  	v11 =	vld [tilespmem:s31+$0x12800];
	[tilespmem:s31+$0x12800] =	vst v0;
	v7 =	vadd.s32 v12, v7  }
0x178: {  	v12 =	vld [tilespmem:s31+$0x12C00];
	[tilespmem:s31+$0x12C00] =	vst v0;
	v13 =	vadd.s32 v13, v7  }
0x179: {  	v7 =	vld [tilespmem:s31+$0x13000];
	[tilespmem:s31+$0x13000] =	vst v0;
	v13 =	vadd.s32 v8, v13  }
0x17a: {  	v8 =	vld [tilespmem:s31+$0x13400];
	[tilespmem:s31+$0x13400] =	vst v0;
	v13 =	vadd.s32 v9, v13  }
0x17b: {  	v9 =	vld [tilespmem:s31+$0x13800];
	[tilespmem:s31+$0x13800] =	vst v0;
	v13 =	vadd.s32 v10, v13  }
0x17c: {  	s23 =	simm.s32 $0x10010;
	s22 =	simm.s32 $0x10;
	v10 =	vld [tilespmem:s31+$0x13C00];
	[tilespmem:s31+$0x13C00] =	vst v0;
	v13 =	vadd.s32 v11, v13  }
0x17d: {  	s24 =	simm.s32 $0x20;
	s21 =	sand.u32 $0x3F0, s22;
	v11 =	vld [tilespmem:s23+$0x0];
	[tilespmem:s23+$0x0] =	vst v0;
	v12 =	vadd.s32 v12, v13  }
.LBB2_22:
0x17e: {  	p0 =	sne.s32 s24, $0x3E0;
	v13 =	vld [tilespmem:s21+$0x10400];
	[tilespmem:s21+$0x10400] =	vst v0;
	v7 =	vadd.s32 v7, v12  }
0x17f: {  	v12 =	vld [tilespmem:s21+$0x10800];
	[tilespmem:s21+$0x10800] =	vst v0;
	v7 =	vadd.s32 v8, v7  }
0x180: {  	v8 =	vld [tilespmem:s21+$0x10C00];
	[tilespmem:s21+$0x10C00] =	vst v0;
	v7 =	vadd.s32 v9, v7  }
0x181: {  	v9 =	vld [tilespmem:s21+$0x11000];
	[tilespmem:s21+$0x11000] =	vst v0;
	v7 =	vadd.s32 v10, v7  }
0x182: {  	v14 =	vor.u32 s20, v1;
	s20 =	smov.u32 s22;
	s22 =	smov.u32 s24;
	v10 =	vld [tilespmem:s21+$0x11400];
	[tilespmem:s21+$0x11400] =	vst v0;
	vm0 =	vgt.s32 v7, v6  }
0x183: {  	v11 =	vadd.s32 v11, v13;
	v13 =	vld [tilespmem:s21+$0x11800];
	[tilespmem:s21+$0x11800] =	vst v0;
	v6 =	vsel vm0, v7, v6;
	v5 =	vsel vm0, v14, v5  }
0x184: {  	v7 =	vadd.s32 v12, v11;
	v11 =	vld [tilespmem:s21+$0x11C00];
	[tilespmem:s21+$0x11C00] =	vst v0  }
0x185: {  	v7 =	vadd.s32 v8, v7;
	v8 =	vld [tilespmem:s21+$0x12000];
	[tilespmem:s21+$0x12000] =	vst v0  }
0x186: {  	v7 =	vadd.s32 v9, v7;
	v9 =	vld [tilespmem:s21+$0x12400];
	[tilespmem:s21+$0x12400] =	vst v0  }
0x187: {  	v7 =	vadd.s32 v10, v7;
	v10 =	vld [tilespmem:s21+$0x12800];
	[tilespmem:s21+$0x12800] =	vst v0  }
0x188: {  	v7 =	vadd.s32 v13, v7;
	v12 =	vld [tilespmem:s21+$0x12C00];
	[tilespmem:s21+$0x12C00] =	vst v0  }
.Ltmp10:
0x189: {  	v11 =	vadd.s32 v11, v7;
	v7 =	vld [tilespmem:s21+$0x13000];
	[tilespmem:s21+$0x13000] =	vst v0;
	(pc) =	sbr.rel @p0 .LBB2_22-.Ltmp10, $4  }
0x18a: {  	v11 =	vadd.s32 v8, v11;
	v8 =	vld [tilespmem:s21+$0x13400];
	[tilespmem:s21+$0x13400] =	vst v0  }
0x18b: {  	v11 =	vadd.s32 v9, v11;
	v9 =	vld [tilespmem:s21+$0x13800];
	[tilespmem:s21+$0x13800] =	vst v0  }
0x18c: {  	s23 =	sadd.s32 $0x10, s23;
	v13 =	vadd.s32 v10, v11;
	v10 =	vld [tilespmem:s21+$0x13C00];
	[tilespmem:s21+$0x13C00] =	vst v0  }
0x18d: {  	s24 =	sadd.s32 $0x10, s24;
	s21 =	sand.u32 $0x3F0, s22;
	v11 =	vld [tilespmem:s23+$0x0];
	[tilespmem:s23+$0x0] =	vst v0;
	v12 =	vadd.s32 v12, v13  }
0x18e: {  	v13 =	vld [tilespmem:s21+$0x10400]  }
0x18f: {  	v14 =	vld [tilespmem:s21+$0x10800]  }
0x190: {  	v15 =	vld [tilespmem:s21+$0x10C00]  }
0x191: {  	v16 =	vld [tilespmem:s21+$0x11000]  }
0x192: {  	v17 =	vld [tilespmem:s21+$0x11400]  }
0x193: {  	v18 =	vld [tilespmem:s21+$0x11800];
	v11 =	vadd.s32 v11, v13  }
0x194: {  	v19 =	vld [tilespmem:s21+$0x11C00];
	v11 =	vadd.s32 v14, v11  }
0x195: {  	v20 =	vld [tilespmem:s21+$0x12000];
	v11 =	vadd.s32 v15, v11  }
0x196: {  	v21 =	vld [tilespmem:s21+$0x12400];
	v11 =	vadd.s32 v16, v11  }
0x197: {  	v22 =	vld [tilespmem:s21+$0x12800];
	v11 =	vadd.s32 v17, v11  }
0x198: {  	v58 =	vld [tilespmem:s21+$0x12C00];
	v11 =	vadd.s32 v18, v11  }
0x199: {  	v59 =	vld [tilespmem:s21+$0x13000];
	v11 =	vadd.s32 v19, v11  }
0x19a: {  	v60 =	vld [tilespmem:s21+$0x13400];
	v11 =	vadd.s32 v20, v11  }
0x19b: {  	v61 =	vld [tilespmem:s21+$0x13800];
	v11 =	vadd.s32 v21, v11  }
0x19c: {  	v7 =	vadd.s32 v7, v12;
	v62 =	vld [tilespmem:s21+$0x13C00];
	v11 =	vadd.s32 v22, v11  }
0x19d: {  	v7 =	vadd.s32 v8, v7;
	v8 =	vadd.s32 v58, v11  }
0x19e: {  	v7 =	vadd.s32 v9, v7;
	v8 =	vadd.s32 v59, v8  }
0x19f: {  	v7 =	vadd.s32 v10, v7;
	v8 =	vadd.s32 v60, v8  }
0x1a0: {  	vm0 =	vgt.s32 v7, v6;
	v8 =	vadd.s32 v61, v8  }
0x1a1: {  	v6 =	vsel vm0, v7, v6;
	v7 =	vadd.s32 v62, v8  }
0x1a2: {  	vm1 =	vgt.s32 v7, v6  }
0x1a3: {  	v6 =	vsel vm1, v7, v6  }
0x1a4: {  	v7 =	vxor.u32 $0x80000000, v6  }
0x1a5: {  	(xrf0) =	vmax.scan.msk.u32 $0xffff, v7;
	_ =	sdelay $0x5  }
0x1a6: {  	v7, _, _ =	vpop (xrf0)  }
0x1a7: {  	(v2sf) =	vpush v7, $0xF;
	_ =	sdelay $0xd  }
0x1a8: {  	v7 =	vor.u32 s20, v1  }
0x1a9: {  	v5 =	vsel vm0, v7, v5;
	v7 =	vor.u32 s22, v1;
	s25 =	spop (v2sf)  }
0x1aa: {  	v5 =	vsel vm1, v7, v5;
	s20 =	sxor.u32 $0x80000000, s25  }
0x1ab: {  	v5 =	vxor.u32 $0x80000000, v5;
	vm0 =	veq.s32 v6, s20  }
0x1ac: {  	v5 =	vnsel vm0, $0xC0000000, v5  }
0x1ad: {  	(xrf0) =	vmin.scan.msk.u32 $0xffff, v5;
	_ =	sdelay $0x5  }
0x1ae: {  	v5, _, _ =	vpop (xrf0)  }
0x1af: {  	(v2sf) =	vpush v5, $0xF;
	_ =	sdelay $0x4  }
0x1b0: {  	[tilespmem:s21+$0x10400] =	vst v0  }
0x1b1: {  	[tilespmem:s21+$0x10800] =	vst v0  }
0x1b2: {  	[tilespmem:s21+$0x10C00] =	vst v0  }
0x1b3: {  	[tilespmem:s21+$0x11000] =	vst v0  }
0x1b4: {  	[tilespmem:s21+$0x11400] =	vst v0  }
0x1b5: {  	[tilespmem:s21+$0x11800] =	vst v0  }
0x1b6: {  	[tilespmem:s21+$0x11C00] =	vst v0  }
0x1b7: {  	[tilespmem:s21+$0x12000] =	vst v0  }
0x1b8: {  	[tilespmem:s21+$0x12400] =	vst v0  }
0x1b9: {  	[tilespmem:s21+$0x12800] =	vst v0  }
0x1ba: {  	[tilespmem:s21+$0x12C00] =	vst v0;
	s26 =	spop (v2sf)  }
0x1bb: {  	[tilespmem:s21+$0x13000] =	vst v0;
	s28 =	simm.s32 $0x30;
	s20 =	sxor.u32 $0x80000000, s26  }
0x1bc: {  	[tilespmem:s21+$0x13400] =	vst v0;
	s29 =	simm.s32 $0x10;
	v6 =	vor.u32 s28, v1;
	v5 =	vmov s20  }
0x1bd: {  	[tilespmem:s21+$0x13800] =	vst v0;
	s30 =	simm.s32 $0x20;
	v7 =	vor.u32 s29, v1;
	vm0 =	veq.s32 v6, v5  }
0x1be: {  	[tilespmem:s21+$0x13C00] =	vst v0;
	s31 =	simm.s32 $0x0;
	s20 =	simm.s32 $0x14020;
	vm1 =	veq.s32 v7, v5;
	v6 =	vor.u32 s30, v1;
	v7 =	vsel vm0, $0x3F800000, v4  }
0x1bf: {  	v8 =	vor.u32 s31, v1;
	v63 =	vsel vm1, $0x3F800000, v4;
	vm1 =	veq.s32 v6, v5;
	[tilespmem:s20+$0x10] =	vst v7  }
0x1c0: {  	s21 =	simm.s32 $0x40;
	vm0 =	veq.s32 v8, v5;
	[tilespmem:s20+$0xFFFFFFF0] =	vst v63;
	v6 =	vsel vm1, $0x3F800000, v4  }
.LBB2_24:
0x1c1: {  	s22 =	sadd.s32 $0x30, s21  }
0x1c2: {  	p0 =	slt.u32 s21, $0x380;
	v7 =	vsel vm0, $0x3F800000, v4;
	[tilespmem:s20+$0x0] =	vst v6;
	s23 =	smov.u32 s21;
	s21 =	sadd.s32 $0x40, s21  }
.Ltmp11:
0x1c3: {  	s24 =	sadd.s32 $0x10, s23;
	v6 =	vor.u32 s22, v1;
	[tilespmem:s20+$0xFFFFFFE0] =	vst v7;
	(pc) =	sbr.rel @p0 .LBB2_24-.Ltmp11, $4  }
0x1c4: {  	s22 =	sadd.s32 $0x20, s23;
	v7 =	vor.u32 s24, v1;
	vm0 =	veq.s32 v6, v5  }
0x1c5: {  	s20 =	sadd.s32 $0x40, s20;
	v6 =	vor.u32 s22, v1;
	vm1 =	veq.s32 v7, v5;
	v7 =	vsel vm0, $0x3F800000, v4  }
0x1c6: {  	v8 =	vor.u32 s23, v1;
	s23 =	simm.s32 $0x143C0;
	s22 =	simm.s32 $0x3B0;
	v9 =	vsel vm1, $0x3F800000, v4;
	vm1 =	veq.s32 v6, v5;
	[tilespmem:s20+$0x10] =	vst v7  }
0x1c7: {  	vm0 =	veq.s32 v8, v5;
	[tilespmem:s20+$0xFFFFFFF0] =	vst v9;
	v6 =	vsel vm1, $0x3F800000, v4  }
0x1c8: {  	v7 =	vsel vm0, $0x3F800000, v4;
	[tilespmem:s20+$0x0] =	vst v6  }
0x1c9: {  	[tilespmem:s20+$0xFFFFFFE0] =	vst v7  }
.LBB2_26:
0x1ca: {  	s22 =	sadd.s32 $0x10, s22  }
0x1cb: {  	p0 =	slt.u32 s22, $0x3E0  }
.Ltmp12:
0x1cc: {  	_ = 	snop;
	(pc) =	sbr.rel @p0 .LBB2_26-.Ltmp12, $4  }
0x1cd: {  	v6 =	vor.u32 s22, v1  }
0x1ce: {  	vm0 =	veq.s32 v6, v5  }
0x1cf: {  	v6 =	vsel vm0, $0x3F800000, v4  }
0x1d0: {  	[tilespmem:s23+$0x0] =	vst v6;
	s23 =	sadd.s32 $0x10, s23  }
0x1d1: {  	[hbm4b:s9+s12] =	stream.strided.scatter [tilespmem:s16], [sflag:$0x3], $0x400, s13, s12, $0x38;
	[tilespmem:$0x14400] =	vst v63  }
0x1d2: {  	_ =	swait.ge [sflag:s17], $0x400  }
0x1d3: {  	[sflag:s17] =	ssyncset.done $0x0  }
0x1d4: {  	[sflag:s17] =	ssyncadd.s32 $0xFFFFFC00  }
0x1d5: {  	_ =	swait.ge [sflag:s18], $0x8000  }
0x1d6: {  	[sflag:s18] =	ssyncset.done $0x0  }
0x1d7: {  	s20 =	simm.s32 $0x8040;
	[sflag:s18] =	ssyncadd.s32 $0xFFFF8000  }
0x1d8: {  	v5 =	vld [tilespmem:s20+$0x30]  }
0x1d9: {  	v6 =	vld [tilespmem:s20+$0xFFFFFFD0]  }
0x1da: {  	v7 =	vld [tilespmem:s20+$0xFFFFFFE0]  }
0x1db: {  	v8 =	vld [tilespmem:s20+$0xFFFFFFF0]  }
0x1dc: {  	v9 =	vld [tilespmem:s20+$0x0]  }
0x1dd: {  	v10 =	vld [tilespmem:s20+$0x10];
	v5 =	vadd.s32 v2, v5  }
0x1de: {  	v6 =	vadd.s32 v2, v6  }
0x1df: {  	v7 =	vadd.s32 v2, v7  }
0x1e0: {  	v11 =	vld [tilespmem:s20+$0x20];
	v8 =	vadd.s32 v2, v8  }
0x1e1: {  	s21 =	simm.s32 $0x10000;
	v12 =	vld [tilespmem:s20+$0xFFFFFFC0];
	v9 =	vadd.s32 v2, v9  }
0x1e2: {  	v10 =	vadd.s32 v2, v10;
	[tilespmem:v5+s21+$0x0] =	vst.idx.add.s32.msk $0xffff, v3  }
0x1e3: {  	[tilespmem:v6+s21+$0x0] =	vst.idx.add.s32.msk $0xffff, v3  }
0x1e4: {  	[tilespmem:v7+s21+$0x0] =	vst.idx.add.s32.msk $0xffff, v3  }
0x1e5: {  	[tilespmem:v8+s21+$0x0] =	vst.idx.add.s32.msk $0xffff, v3  }
0x1e6: {  	[tilespmem:v9+s21+$0x0] =	vst.idx.add.s32.msk $0xffff, v3  }
0x1e7: {  	s22 =	simm.s32 $0x0;
	s23 =	simm.s32 $0x80C0;
	v7 =	vadd.s32 v2, v11;
	v8 =	vadd.s32 v2, v12;
	[tilespmem:v10+s21+$0x0] =	vst.idx.add.s32.msk $0xffff, v3  }
.LBB2_28:
0x1e8: {  	v5 =	vld [tilespmem:s23+$0x30];
	s22 =	sadd.s32 $0x80, s22  }
0x1e9: {  	v6 =	vld [tilespmem:s23+$0xFFFFFFD0];
	p0 =	slt.u32 s22, $0x7F80  }
0x1ea: {  	v9 =	vld [tilespmem:s23+$0xFFFFFFE0]  }
0x1eb: {  	v10 =	vld [tilespmem:s23+$0xFFFFFFF0]  }
0x1ec: {  	v11 =	vld [tilespmem:s23+$0x0]  }
0x1ed: {  	v12 =	vld [tilespmem:s23+$0x10];
	v5 =	vadd.s32 v2, v5  }
0x1ee: {  	v13 =	vadd.s32 v2, v6;
	v14 =	vld [tilespmem:s23+$0x20]  }
0x1ef: {  	v15 =	vld [tilespmem:s23+$0xFFFFFFC0];
	v9 =	vadd.s32 v2, v9  }
0x1f0: {  	v10 =	vadd.s32 v2, v10;
	[tilespmem:v8+s21+$0x0] =	vst.idx.add.s32.msk $0xffff, v3  }
0x1f1: {  	v11 =	vadd.s32 v2, v11;
	[tilespmem:v7+s21+$0x0] =	vst.idx.add.s32.msk $0xffff, v3  }
0x1f2: {  	s20 =	simm.s32 $0x0;
	v6 =	vimm.s32 $0xFFFFFFFF;
	v12 =	vadd.s32 v2, v12;
	[tilespmem:v5+s21+$0x0] =	vst.idx.add.s32.msk $0xffff, v3;
	v5 =	vimm.s32 $0x0  }
.Ltmp13:
0x1f3: {  	[tilespmem:v13+s21+$0x0] =	vst.idx.add.s32.msk $0xffff, v3;
	v7 =	vadd.s32 v2, v14;
	(pc) =	sbr.rel @p0 .LBB2_28-.Ltmp13, $4  }
0x1f4: {  	v8 =	vadd.s32 v2, v15;
	[tilespmem:v9+s21+$0x0] =	vst.idx.add.s32.msk $0xffff, v3  }
0x1f5: {  	[tilespmem:v10+s21+$0x0] =	vst.idx.add.s32.msk $0xffff, v3  }
0x1f6: {  	[tilespmem:v11+s21+$0x0] =	vst.idx.add.s32.msk $0xffff, v3  }
0x1f7: {  	s23 =	sadd.s32 $0x80, s23;
	[tilespmem:v12+s21+$0x0] =	vst.idx.add.s32.msk $0xffff, v3  }
0x1f8: {  	_ =	sdelay $0x3  }
0x1f9: {  	[tilespmem:v8+s21+$0x0] =	vst.idx.add.s32.msk $0xffff, v3  }
0x1fa: {  	[tilespmem:v7+s21+$0x0] =	vst.idx.add.s32.msk $0xffff, v3  }
0x1fb: {  	s22 =	sand.u32 $0x3F0, s20;
	v7 =	vld [tilespmem:s21+$0x0]  }
0x1fc: {  	v8 =	vld [tilespmem:s22+$0x10400]  }
0x1fd: {  	v9 =	vld [tilespmem:s22+$0x10800]  }
0x1fe: {  	v10 =	vld [tilespmem:s22+$0x10C00]  }
0x1ff: {  	v11 =	vld [tilespmem:s22+$0x11000]  }
0x200: {  	v12 =	vld [tilespmem:s22+$0x11400]  }
0x201: {  	v7 =	vadd.s32 v7, v8;
	v8 =	vld [tilespmem:s22+$0x11800]  }
0x202: {  	v7 =	vadd.s32 v9, v7;
	v9 =	vld [tilespmem:s22+$0x11C00]  }
0x203: {  	v7 =	vadd.s32 v10, v7;
	v10 =	vld [tilespmem:s22+$0x12000]  }
0x204: {  	v7 =	vadd.s32 v11, v7;
	v11 =	vld [tilespmem:s22+$0x12400]  }
0x205: {  	v7 =	vadd.s32 v12, v7;
	v12 =	vld [tilespmem:s22+$0x12800]  }
0x206: {  	v13 =	vld [tilespmem:s22+$0x12C00];
	v7 =	vadd.s32 v8, v7  }
0x207: {  	v7 =	vadd.s32 v9, v7;
	v9 =	vld [tilespmem:s22+$0x13000]  }
0x208: {  	v8 =	vadd.s32 v10, v7;
	v7 =	vld [tilespmem:s22+$0x13400]  }
0x209: {  	v10 =	vadd.s32 v11, v8;
	v8 =	vld [tilespmem:s22+$0x13800]  }
0x20a: {  	s23 =	simm.s32 $0x10010;
	s21 =	simm.s32 $0x10;
	v12 =	vadd.s32 v12, v10;
	v10 =	vld [tilespmem:s22+$0x13C00]  }
0x20b: {  	s24 =	simm.s32 $0x20;
	v11 =	vld [tilespmem:s23+$0x0];
	s22 =	sand.u32 $0x3F0, s21;
	v12 =	vadd.s32 v13, v12  }
.LBB2_30:
0x20c: {  	p0 =	sne.s32 s24, $0x3E0;
	v13 =	vld [tilespmem:s22+$0x10400];
	v9 =	vadd.s32 v9, v12  }
0x20d: {  	v12 =	vld [tilespmem:s22+$0x10800];
	v7 =	vadd.s32 v7, v9  }
0x20e: {  	v9 =	vld [tilespmem:s22+$0x10C00];
	v7 =	vadd.s32 v8, v7  }
0x20f: {  	v8 =	vld [tilespmem:s22+$0x11000];
	v7 =	vadd.s32 v10, v7  }
0x210: {  	v14 =	vor.u32 s20, v1;
	s20 =	smov.u32 s21;
	s21 =	smov.u32 s24;
	v10 =	vld [tilespmem:s22+$0x11400];
	vm0 =	vgt.s32 v7, v6  }
0x211: {  	v11 =	vadd.s32 v11, v13;
	v13 =	vld [tilespmem:s22+$0x11800];
	v6 =	vsel vm0, v7, v6;
	v5 =	vsel vm0, v14, v5  }
0x212: {  	v7 =	vadd.s32 v12, v11;
	v11 =	vld [tilespmem:s22+$0x11C00]  }
0x213: {  	v7 =	vadd.s32 v9, v7;
	v12 =	vld [tilespmem:s22+$0x12000]  }
0x214: {  	v7 =	vadd.s32 v8, v7;
	v8 =	vld [tilespmem:s22+$0x12400]  }
0x215: {  	v7 =	vadd.s32 v10, v7;
	v10 =	vld [tilespmem:s22+$0x12800]  }
0x216: {  	v7 =	vadd.s32 v13, v7;
	v13 =	vld [tilespmem:s22+$0x12C00]  }
.Ltmp14:
0x217: {  	v7 =	vadd.s32 v11, v7;
	v9 =	vld [tilespmem:s22+$0x13000];
	(pc) =	sbr.rel @p0 .LBB2_30-.Ltmp14, $4  }
0x218: {  	v11 =	vadd.s32 v12, v7;
	v7 =	vld [tilespmem:s22+$0x13400]  }
0x219: {  	v11 =	vadd.s32 v8, v11;
	v8 =	vld [tilespmem:s22+$0x13800]  }
0x21a: {  	s23 =	sadd.s32 $0x10, s23;
	v12 =	vadd.s32 v10, v11;
	v10 =	vld [tilespmem:s22+$0x13C00]  }
0x21b: {  	s24 =	sadd.s32 $0x10, s24;
	s22 =	sand.u32 $0x3F0, s21;
	v11 =	vld [tilespmem:s23+$0x0];
	v12 =	vadd.s32 v13, v12  }
0x21c: {  	v13 =	vld [tilespmem:s22+$0x10400]  }
0x21d: {  	v14 =	vld [tilespmem:s22+$0x10800]  }
0x21e: {  	v15 =	vld [tilespmem:s22+$0x10C00]  }
0x21f: {  	v16 =	vld [tilespmem:s22+$0x11000]  }
0x220: {  	v17 =	vld [tilespmem:s22+$0x11400]  }
0x221: {  	v52 =	vld [tilespmem:s22+$0x11800];
	v11 =	vadd.s32 v11, v13  }
0x222: {  	v53 =	vld [tilespmem:s22+$0x11C00];
	v11 =	vadd.s32 v14, v11  }
0x223: {  	v54 =	vld [tilespmem:s22+$0x12000];
	v11 =	vadd.s32 v15, v11  }
0x224: {  	v55 =	vld [tilespmem:s22+$0x12400];
	v11 =	vadd.s32 v16, v11  }
0x225: {  	v56 =	vld [tilespmem:s22+$0x12800];
	v11 =	vadd.s32 v17, v11  }
0x226: {  	v57 =	vld [tilespmem:s22+$0x12C00];
	v11 =	vadd.s32 v52, v11  }
0x227: {  	v58 =	vld [tilespmem:s22+$0x13000];
	v11 =	vadd.s32 v53, v11  }
0x228: {  	v59 =	vld [tilespmem:s22+$0x13400];
	v11 =	vadd.s32 v54, v11  }
0x229: {  	v60 =	vld [tilespmem:s22+$0x13800];
	v11 =	vadd.s32 v55, v11  }
0x22a: {  	v9 =	vadd.s32 v9, v12;
	v61 =	vld [tilespmem:s22+$0x13C00];
	v11 =	vadd.s32 v56, v11  }
0x22b: {  	v7 =	vadd.s32 v7, v9;
	v62 =	vadd.s32 v57, v11  }
0x22c: {  	v7 =	vadd.s32 v8, v7;
	v8 =	vadd.s32 v58, v62  }
0x22d: {  	v7 =	vadd.s32 v10, v7;
	v8 =	vadd.s32 v59, v8  }
0x22e: {  	vm0 =	vgt.s32 v7, v6;
	v8 =	vadd.s32 v60, v8  }
0x22f: {  	v6 =	vsel vm0, v7, v6;
	v7 =	vadd.s32 v61, v8  }
0x230: {  	vm1 =	vgt.s32 v7, v6  }
0x231: {  	v6 =	vsel vm1, v7, v6  }
0x232: {  	v7 =	vxor.u32 $0x80000000, v6  }
0x233: {  	(xrf0) =	vmax.scan.msk.u32 $0xffff, v7;
	_ =	sdelay $0x5  }
0x234: {  	v7, _, _ =	vpop (xrf0)  }
0x235: {  	(v2sf) =	vpush v7, $0xF;
	_ =	sdelay $0xd  }
0x236: {  	v7 =	vor.u32 s20, v1  }
0x237: {  	v5 =	vsel vm0, v7, v5;
	v7 =	vor.u32 s21, v1;
	s25 =	spop (v2sf)  }
0x238: {  	v5 =	vsel vm1, v7, v5;
	s20 =	sxor.u32 $0x80000000, s25  }
0x239: {  	v5 =	vxor.u32 $0x80000000, v5;
	vm0 =	veq.s32 v6, s20  }
0x23a: {  	v5 =	vnsel vm0, $0xC0000000, v5  }
0x23b: {  	(xrf0) =	vmin.scan.msk.u32 $0xffff, v5;
	_ =	sdelay $0x5  }
0x23c: {  	v5, _, _ =	vpop (xrf0)  }
0x23d: {  	(v2sf) =	vpush v5, $0xF;
	_ =	sdelay $0xe  }
0x23e: {  	s26 =	spop (v2sf)  }
0x23f: {  	s28 =	simm.s32 $0x30;
	s20 =	sxor.u32 $0x80000000, s26  }
0x240: {  	s29 =	simm.s32 $0x10;
	v6 =	vor.u32 s28, v1;
	v5 =	vmov s20  }
0x241: {  	s30 =	simm.s32 $0x20;
	v7 =	vor.u32 s29, v1;
	vm0 =	veq.s32 v6, v5  }
0x242: {  	s31 =	simm.s32 $0x0;
	s20 =	simm.s32 $0x14020;
	vm1 =	veq.s32 v7, v5;
	v6 =	vor.u32 s30, v1;
	v7 =	vsel vm0, $0x3F800000, v4  }
0x243: {  	v8 =	vor.u32 s31, v1;
	v63 =	vsel vm1, $0x3F800000, v4;
	vm1 =	veq.s32 v6, v5;
	[tilespmem:s20+$0x10] =	vst v7  }
0x244: {  	s21 =	simm.s32 $0x40;
	vm0 =	veq.s32 v8, v5;
	[tilespmem:s20+$0xFFFFFFF0] =	vst v63;
	v6 =	vsel vm1, $0x3F800000, v4  }
.LBB2_32:
0x245: {  	s22 =	sadd.s32 $0x30, s21  }
0x246: {  	p0 =	slt.u32 s21, $0x380;
	v7 =	vsel vm0, $0x3F800000, v4;
	[tilespmem:s20+$0x0] =	vst v6;
	s23 =	smov.u32 s21;
	s21 =	sadd.s32 $0x40, s21  }
.Ltmp15:
0x247: {  	s24 =	sadd.s32 $0x10, s23;
	v6 =	vor.u32 s22, v1;
	[tilespmem:s20+$0xFFFFFFE0] =	vst v7;
	(pc) =	sbr.rel @p0 .LBB2_32-.Ltmp15, $4  }
0x248: {  	s22 =	sadd.s32 $0x20, s23;
	v7 =	vor.u32 s24, v1;
	vm0 =	veq.s32 v6, v5  }
0x249: {  	s20 =	sadd.s32 $0x40, s20;
	v6 =	vor.u32 s22, v1;
	vm1 =	veq.s32 v7, v5;
	v7 =	vsel vm0, $0x3F800000, v4  }
0x24a: {  	v8 =	vor.u32 s23, v1;
	s23 =	simm.s32 $0x143C0;
	s22 =	simm.s32 $0x3B0;
	v9 =	vsel vm1, $0x3F800000, v4;
	vm1 =	veq.s32 v6, v5;
	[tilespmem:s20+$0x10] =	vst v7  }
0x24b: {  	vm0 =	veq.s32 v8, v5;
	[tilespmem:s20+$0xFFFFFFF0] =	vst v9;
	v6 =	vsel vm1, $0x3F800000, v4  }
0x24c: {  	v7 =	vsel vm0, $0x3F800000, v4;
	[tilespmem:s20+$0x0] =	vst v6  }
0x24d: {  	[tilespmem:s20+$0xFFFFFFE0] =	vst v7  }
.LBB2_34:
0x24e: {  	s22 =	sadd.s32 $0x10, s22  }
0x24f: {  	p0 =	slt.u32 s22, $0x3E0  }
.Ltmp16:
0x250: {  	_ = 	snop;
	(pc) =	sbr.rel @p0 .LBB2_34-.Ltmp16, $4  }
0x251: {  	v6 =	vor.u32 s22, v1  }
0x252: {  	vm0 =	veq.s32 v6, v5  }
0x253: {  	v6 =	vsel vm0, $0x3F800000, v4  }
0x254: {  	[tilespmem:s23+$0x0] =	vst v6;
	s23 =	sadd.s32 $0x10, s23  }
0x255: {  	s19 =	sadd.s32 $0x1, s19  }
0x256: {  	p0 =	sne.s32 s19, s11  }
.Ltmp17:
0x257: {  	_ = 	snop;
	(pc) =	sbr.rel @p0 .LBB2_1-.Ltmp17, $4  }
0x258: {  	[hbm4b:s10+s12] =	stream.strided.scatter [tilespmem:s16], [sflag:$0x3], $0x400, s13, s12, $0x38;
	[tilespmem:$0x14400] =	vst v63  }
0x259: {  	_ =	swait.ge [sflag:s17], $0x400  }
0x25a: {  	[sflag:s17] =	ssyncset.done $0x0  }
0x25b: {  	[sflag:s17] =	ssyncadd.s32 $0xFFFFFC00  }
0x25c: {  	_ =	sfence.sel $0x180000  }
0x25d: {  	[bflag:$0x0] =	sbarrier.arrive $0xFFFF  }
0x25e: {  	p0 =	sne.s32 s1, $0x0;
	_ =	strace $0x90000047  }
0x25f: {  	s0 =	sadd.s32 @!p0 $0x100000, s0;
	[bflag:$0x2] =	sbarrier.arrive $0xFFFF  }
0x260: {  	[sflag:s0] =	ssyncadd.tile.s32 @!p0 $0x1;
	_ =	shalt  }
.Lfunc_end2:
_tile_overlayer_lowered:
.L_overlay_start_2:
0x261: {  	(tag) =	ssettag $0x2  }
0x262: {  	s0 =	rddreg [dreg:$0x0];
	s2 =	stileid.u32  }
0x263: {  	s1 =	rddreg [dreg:$0x1];
	p0 =	sne.s32 s2, $0x0  }
0x264: {  	s3 =	rddreg [dreg:$0x2];
	[bflag:$0x3] =	sbarrier.arrive $0xFFFF;
	s2 =	simm.s32 @!p0 $0x1C03  }
0x265: {  	[timem:s3], [sflag:s2] =	dma.local @!p0 [hbm:s0], s1  }
0x266: {  	s0 =	simm.s32 @!p0 $0x3  }
0x267: {  	_ =	swait.ge @!p0 [sflag:s0], s1  }
0x268: {  	s1 =	ssub.s32 @!p0 $0x0, s1;
	[sflag:s0] =	ssyncset.done @!p0 $0x0  }
0x269: {  	[sflag:s0] =	ssyncadd.s32 @!p0 s1  }
0x26a: {  	[bflag:$0x3] =	sbarrier.arrive $0xFFFF  }
0x26b: {  	_ =	shalt  }

</sc_bundles>
